<compile_context>
chip_gen: v7x
topology: tpu7x:2x2x1
jax: 0.10.2.dev20260603
libtpu: 0.0.44.dev20260713+nightly
codegen_flags: <defaults>
</compile_context>

<pallas_src>
import functools

import jax
import jax.numpy as jnp
from jax import lax
from jax.experimental import pallas as pl
from jax.experimental.pallas import tpu as pltpu
from jax.experimental.pallas import tpu_sc as plsc

_NUM_CORES = 2
_NUM_SUBCORES = 16
_LANES = 16


def _make_sc_kernel(B, N, H):
    nodes_per_sub = N // _NUM_SUBCORES
    b_per_core = B // _NUM_CORES
    chunks_per_row = H // _LANES

    mesh = plsc.VectorSubcoreMesh(
        core_axis_name="c", subcore_axis_name="s")

    @functools.partial(
        pl.kernel,
        out_type=jax.ShapeDtypeStruct((B, N, H), jnp.float32),
        mesh=mesh,
        scratch_types=[
            pltpu.VMEM((nodes_per_sub,), jnp.int32),
            pltpu.VMEM((nodes_per_sub,), jnp.int32),
            pltpu.VMEM((nodes_per_sub, H), jnp.float32),
            pltpu.VMEM((nodes_per_sub, H), jnp.float32),
            pltpu.SemaphoreType.DMA,
            pltpu.SemaphoreType.DMA,
        ],
    )
    def sc_kernel(in_deg, out_deg, w_in, w_out, out,
                  idx_in_v, idx_out_v, a_v, b_v, isem, wsem):
        c = lax.axis_index("c")
        s = lax.axis_index("s")
        node0 = s * nodes_per_sub
        b0 = c * b_per_core

        ci = pltpu.async_copy(
            in_deg.at[pl.ds(node0, nodes_per_sub)], idx_in_v, isem)
        co = pltpu.async_copy(
            out_deg.at[pl.ds(node0, nodes_per_sub)], idx_out_v, isem)
        ci.wait()
        co.wait()

        cp_a = pltpu.async_copy(w_in.at[idx_in_v], a_v, isem)
        cp_b = pltpu.async_copy(w_out.at[idx_out_v], b_v, isem)
        cp_a.wait()
        cp_b.wait()

        unroll = 4
        for j in range(nodes_per_sub):
            def add_body(k, _, j=j):
                for u in range(unroll):
                    sl = pl.ds((k * unroll + u) * _LANES, _LANES)
                    a_v[j, sl] = a_v[j, sl] + b_v[j, sl]
                return _
            lax.fori_loop(0, chunks_per_row // unroll, add_body, None)

        copies = []
        for i in range(b_per_core):
            copies.append(
                pltpu.async_copy(
                    a_v, out.at[b0 + i, pl.ds(node0, nodes_per_sub)], wsem))
        for cp in copies:
            cp.wait()

    return sc_kernel


@jax.jit
def kernel(x, in_degree, out_degree, W_in, W_out):
    B = x.shape[0]
    N = in_degree.shape[0]
    H = W_in.shape[1]
    return _make_sc_kernel(B, N, H)(in_degree, out_degree, W_in, W_out)

# --- scband reference (transcript-rebuilt; emitter-appended) ---
"""Pipeline reference for scband-degree-encoder-49993419325525 (READ-ONLY COPY).

The authoritative reference and input builder live on the scoring server;
editing this copy changes nothing except your own understanding.
"""

import jax, jax.numpy as jnp
import numpy as np

N_NODES = 128
BATCH = 64
N_HID = 768
NUM_IN_DEG = 512
NUM_OUT_DEG = 512


def setup_inputs(seed: int = 0) -> dict:
    key = jax.random.key(seed)
    k1, k2, k3 = jax.random.split(key, 3)
    x = jax.random.normal(k1, (BATCH, N_NODES), dtype=jnp.float32)
    # fixed (non-trainable) per-node degrees registered at __init__ time
    in_degree = jnp.arange(N_NODES, dtype=jnp.int32)
    out_degree = jnp.arange(N_NODES - 1, -1, -1, dtype=jnp.int32)
    # nn.Embedding weights, init_params applies normal(0, 0.02) to the whole table
    W_in = 0.02 * jax.random.normal(k2, (NUM_IN_DEG, N_HID), dtype=jnp.float32)
    W_out = 0.02 * jax.random.normal(k3, (NUM_OUT_DEG, N_HID), dtype=jnp.float32)
    return {"x": x, "in_degree": in_degree, "out_degree": out_degree, "W_in": W_in, "W_out": W_out}


def reference(x, in_degree, out_degree, W_in, W_out):
    B = x.shape[0]
    batched_in = jnp.broadcast_to(in_degree[None, :], (B, in_degree.shape[0]))
    batched_out = jnp.broadcast_to(out_degree[None, :], (B, out_degree.shape[0]))
    emb_in = jnp.take(W_in, batched_in, axis=0)
    emb_out = jnp.take(W_out, batched_out, axis=0)
    return emb_in + emb_out

if __name__ == "__main__":
    import jax
    _d = setup_inputs()
    print(jax.jit(kernel)(*tuple(_d.values())))

</pallas_src>

<mosaic_0001>
#map = affine_map<(d0, d1) -> (0)>
#map1 = affine_map<(d0, d1) -> (0, 0)>
#map2 = affine_map<(d0, d1) -> (0, 0, 0)>
module attributes {stable_mosaic.version = 14 : i64} {
  func.func @sc_kernel(%arg0: i32, %arg1: i32, %arg2: memref<128xi32, #tpu.memory_space<hbm>>, %arg3: memref<128xi32, #tpu.memory_space<hbm>>, %arg4: memref<512x768xf32, #tpu.memory_space<hbm>>, %arg5: memref<512x768xf32, #tpu.memory_space<hbm>>, %arg6: memref<64x128x768xf32, #tpu.memory_space<hbm>>, %arg7: memref<8xi32, #tpu.memory_space<vmem>>, %arg8: memref<8xi32, #tpu.memory_space<vmem>>, %arg9: memref<8x768xf32, #tpu.memory_space<vmem>>, %arg10: memref<8x768xf32, #tpu.memory_space<vmem>>, %arg11: memref<!tpu.dma_semaphore, #tpu.memory_space<semaphore_mem>>, %arg12: memref<!tpu.dma_semaphore, #tpu.memory_space<semaphore_mem>>) attributes {dimension_semantics = [#tpu.dimension_semantics<core_parallel>, #tpu.dimension_semantics<subcore_parallel>], iteration_bounds = array<i64: 2, 16>, scalar_prefetch = 0 : i64, scratch_operands = 6 : i64, tpu.core_type = #tpu.core_type<sc_vector_subcore>, window_params = [{transform_indices = #map}, {transform_indices = #map}, {transform_indices = #map1}, {transform_indices = #map1}, {transform_indices = #map2}]} {
    %mul3A = arith.constant 8 : i32
    %mul3A_0 = arith.muli %arg1, %mul3A : i32
    %mul3A_1 = arith.constant 32 : i32
    %mul3A_2 = arith.muli %arg0, %mul3A_1 : i32
    %dma_start3A = tpu.memref_slice %arg2[%mul3A_0] : memref<128xi32, #tpu.memory_space<hbm>> -> memref<8xi32, #tpu.memory_space<hbm>>
    %dma_start3A_3 = tpu.memref_slice %arg2[%mul3A_0] : memref<128xi32, #tpu.memory_space<hbm>> -> memref<8xi32, #tpu.memory_space<hbm>>
    tpu.enqueue_dma source(%dma_start3A_3 : memref<8xi32, #tpu.memory_space<hbm>>) target(%arg7 : memref<8xi32, #tpu.memory_space<vmem>>) target_semaphore(%arg11 : memref<!tpu.dma_semaphore, #tpu.memory_space<semaphore_mem>>)
    %dma_start3A_4 = tpu.memref_slice %arg3[%mul3A_0] : memref<128xi32, #tpu.memory_space<hbm>> -> memref<8xi32, #tpu.memory_space<hbm>>
    %dma_start3A_5 = tpu.memref_slice %arg3[%mul3A_0] : memref<128xi32, #tpu.memory_space<hbm>> -> memref<8xi32, #tpu.memory_space<hbm>>
    tpu.enqueue_dma source(%dma_start3A_5 : memref<8xi32, #tpu.memory_space<hbm>>) target(%arg8 : memref<8xi32, #tpu.memory_space<vmem>>) target_semaphore(%arg11 : memref<!tpu.dma_semaphore, #tpu.memory_space<semaphore_mem>>)
    %dma_wait3A = tpu.memref_slice %arg2[%mul3A_0] : memref<128xi32, #tpu.memory_space<hbm>> -> memref<8xi32, #tpu.memory_space<hbm>>
    %dma_wait3A_6 = tpu.memref_slice %arg2[%mul3A_0] : memref<128xi32, #tpu.memory_space<hbm>> -> memref<8xi32, #tpu.memory_space<hbm>>
    tpu.wait_dma2 semaphore(%arg11 : memref<!tpu.dma_semaphore, #tpu.memory_space<semaphore_mem>>) src(%dma_wait3A_6 : memref<8xi32, #tpu.memory_space<hbm>>) dst(%arg7 : memref<8xi32, #tpu.memory_space<vmem>>)
    %dma_wait3A_7 = tpu.memref_slice %arg3[%mul3A_0] : memref<128xi32, #tpu.memory_space<hbm>> -> memref<8xi32, #tpu.memory_space<hbm>>
    %dma_wait3A_8 = tpu.memref_slice %arg3[%mul3A_0] : memref<128xi32, #tpu.memory_space<hbm>> -> memref<8xi32, #tpu.memory_space<hbm>>
    tpu.wait_dma2 semaphore(%arg11 : memref<!tpu.dma_semaphore, #tpu.memory_space<semaphore_mem>>) src(%dma_wait3A_8 : memref<8xi32, #tpu.memory_space<hbm>>) dst(%arg8 : memref<8xi32, #tpu.memory_space<vmem>>)
    %dma_start3A_9 = arith.constant 0 : i32
    %dma_start3A_10 = arith.constant 0 : i32
    %dma_start3A_11 = tpu.memref_slice %arg4[%dma_start3A_9, %dma_start3A_10] : memref<512x768xf32, #tpu.memory_space<hbm>> -> memref<512x768xf32, #tpu.memory_space<hbm>>
    tpu.enqueue_indirect_dma source(%dma_start3A_11 : memref<512x768xf32, #tpu.memory_space<hbm>>) target(%arg9 : memref<8x768xf32, #tpu.memory_space<vmem>>) offsets(%arg7 : memref<8xi32, #tpu.memory_space<vmem>>) semaphore(%arg11 : memref<!tpu.dma_semaphore, #tpu.memory_space<semaphore_mem>>)
    %dma_start3A_12 = arith.constant 0 : i32
    %dma_start3A_13 = arith.constant 0 : i32
    %dma_start3A_14 = tpu.memref_slice %arg5[%dma_start3A_12, %dma_start3A_13] : memref<512x768xf32, #tpu.memory_space<hbm>> -> memref<512x768xf32, #tpu.memory_space<hbm>>
    tpu.enqueue_indirect_dma source(%dma_start3A_14 : memref<512x768xf32, #tpu.memory_space<hbm>>) target(%arg10 : memref<8x768xf32, #tpu.memory_space<vmem>>) offsets(%arg8 : memref<8xi32, #tpu.memory_space<vmem>>) semaphore(%arg11 : memref<!tpu.dma_semaphore, #tpu.memory_space<semaphore_mem>>)
    %dma_wait3A_15 = arith.constant 0 : i32
    %dma_wait3A_16 = arith.constant 0 : i32
    %dma_wait3A_17 = tpu.memref_slice %arg4[%dma_wait3A_15, %dma_wait3A_16] : memref<512x768xf32, #tpu.memory_space<hbm>> -> memref<512x768xf32, #tpu.memory_space<hbm>>
    tpu.wait_indirect_dma semaphore(%arg11 : memref<!tpu.dma_semaphore, #tpu.memory_space<semaphore_mem>>) src(%dma_wait3A_17 : memref<512x768xf32, #tpu.memory_space<hbm>>) dst(%arg9 : memref<8x768xf32, #tpu.memory_space<vmem>>)
    %dma_wait3A_18 = arith.constant 0 : i32
    %dma_wait3A_19 = arith.constant 0 : i32
    %dma_wait3A_20 = tpu.memref_slice %arg5[%dma_wait3A_18, %dma_wait3A_19] : memref<512x768xf32, #tpu.memory_space<hbm>> -> memref<512x768xf32, #tpu.memory_space<hbm>>
    tpu.wait_indirect_dma semaphore(%arg11 : memref<!tpu.dma_semaphore, #tpu.memory_space<semaphore_mem>>) src(%dma_wait3A_20 : memref<512x768xf32, #tpu.memory_space<hbm>>) dst(%arg10 : memref<8x768xf32, #tpu.memory_space<vmem>>)
    %scan3A = arith.constant 0 : i32
    %scan3A_21 = arith.constant 12 : i32
    %scan3A_22 = arith.addi %scan3A, %scan3A_21 : i32
    %scan3A_23 = arith.constant 1 : i32
    scf.for %scan3A_507 = %scan3A to %scan3A_22 step %scan3A_23  : i32 {
      %mul3A_508 = arith.constant 4 : i32
      %mul3A_509 = arith.muli %scan3A_507, %mul3A_508 : i32
      %add3A_510 = arith.constant 0 : i32
      %add3A_511 = arith.addi %mul3A_509, %add3A_510 : i32
      %mul3A_512 = arith.constant 16 : i32
      %mul3A_513 = arith.muli %add3A_511, %mul3A_512 : i32
      %get3A = arith.constant 0 : i32
      %get3A_514 = arith.index_cast %get3A : i32 to index
      %get3A_515 = arith.index_cast %mul3A_513 : i32 to index
      %get3A_516 = tpu.vector_load %arg9[%get3A_514, %get3A_515] {strides = array<i32>} : memref<8x768xf32, #tpu.memory_space<vmem>>, vector<1x16xf32>,
      %get3A_517 = vector.shape_cast %get3A_516 : vector<1x16xf32> to vector<16xf32>
      %get3A_518 = arith.constant 0 : i32
      %get3A_519 = arith.index_cast %get3A_518 : i32 to index
      %get3A_520 = arith.index_cast %mul3A_513 : i32 to index
      %get3A_521 = tpu.vector_load %arg10[%get3A_519, %get3A_520] {strides = array<i32>} : memref<8x768xf32, #tpu.memory_space<vmem>>, vector<1x16xf32>,
      %get3A_522 = vector.shape_cast %get3A_521 : vector<1x16xf32> to vector<16xf32>
      %add3A_523 = arith.addf %get3A_517, %get3A_522 : vector<16xf32>
      %swap3A = arith.constant 0 : i32
      %swap3A_524 = arith.index_cast %swap3A : i32 to index
      %swap3A_525 = arith.index_cast %mul3A_513 : i32 to index
      %swap3A_526 = tpu.vector_load %arg9[%swap3A_524, %swap3A_525] {strides = array<i32>} : memref<8x768xf32, #tpu.memory_space<vmem>>, vector<1x16xf32>,
      %swap3A_527 = vector.shape_cast %swap3A_526 : vector<1x16xf32> to vector<16xf32>
      %swap3A_528 = vector.shape_cast %add3A_523 : vector<16xf32> to vector<1x16xf32>
      tpu.vector_store %arg9[%swap3A_524, %swap3A_525], %swap3A_528 {strides = array<i32>} : memref<8x768xf32, #tpu.memory_space<vmem>>, vector<1x16xf32>,
      %mul3A_529 = arith.constant 4 : i32
      %mul3A_530 = arith.muli %scan3A_507, %mul3A_529 : i32
      %add3A_531 = arith.constant 1 : i32
      %add3A_532 = arith.addi %mul3A_530, %add3A_531 : i32
      %mul3A_533 = arith.constant 16 : i32
      %mul3A_534 = arith.muli %add3A_532, %mul3A_533 : i32
      %get3A_535 = arith.constant 0 : i32
      %get3A_536 = arith.index_cast %get3A_535 : i32 to index
      %get3A_537 = arith.index_cast %mul3A_534 : i32 to index
      %get3A_538 = tpu.vector_load %arg9[%get3A_536, %get3A_537] {strides = array<i32>} : memref<8x768xf32, #tpu.memory_space<vmem>>, vector<1x16xf32>,
      %get3A_539 = vector.shape_cast %get3A_538 : vector<1x16xf32> to vector<16xf32>
      %get3A_540 = arith.constant 0 : i32
      %get3A_541 = arith.index_cast %get3A_540 : i32 to index
      %get3A_542 = arith.index_cast %mul3A_534 : i32 to index
      %get3A_543 = tpu.vector_load %arg10[%get3A_541, %get3A_542] {strides = array<i32>} : memref<8x768xf32, #tpu.memory_space<vmem>>, vector<1x16xf32>,
      %get3A_544 = vector.shape_cast %get3A_543 : vector<1x16xf32> to vector<16xf32>
      %add3A_545 = arith.addf %get3A_539, %get3A_544 : vector<16xf32>
      %swap3A_546 = arith.constant 0 : i32
      %swap3A_547 = arith.index_cast %swap3A_546 : i32 to index
      %swap3A_548 = arith.index_cast %mul3A_534 : i32 to index
      %swap3A_549 = tpu.vector_load %arg9[%swap3A_547, %swap3A_548] {strides = array<i32>} : memref<8x768xf32, #tpu.memory_space<vmem>>, vector<1x16xf32>,
      %swap3A_550 = vector.shape_cast %swap3A_549 : vector<1x16xf32> to vector<16xf32>
      %swap3A_551 = vector.shape_cast %add3A_545 : vector<16xf32> to vector<1x16xf32>
      tpu.vector_store %arg9[%swap3A_547, %swap3A_548], %swap3A_551 {strides = array<i32>} : memref<8x768xf32, #tpu.memory_space<vmem>>, vector<1x16xf32>,
      %mul3A_552 = arith.constant 4 : i32
      %mul3A_553 = arith.muli %scan3A_507, %mul3A_552 : i32
      %add3A_554 = arith.constant 2 : i32
      %add3A_555 = arith.addi %mul3A_553, %add3A_554 : i32
      %mul3A_556 = arith.constant 16 : i32
      %mul3A_557 = arith.muli %add3A_555, %mul3A_556 : i32
      %get3A_558 = arith.constant 0 : i32
      %get3A_559 = arith.index_cast %get3A_558 : i32 to index
      %get3A_560 = arith.index_cast %mul3A_557 : i32 to index
      %get3A_561 = tpu.vector_load %arg9[%get3A_559, %get3A_560] {strides = array<i32>} : memref<8x768xf32, #tpu.memory_space<vmem>>, vector<1x16xf32>,
      %get3A_562 = vector.shape_cast %get3A_561 : vector<1x16xf32> to vector<16xf32>
      %get3A_563 = arith.constant 0 : i32
      %get3A_564 = arith.index_cast %get3A_563 : i32 to index
      %get3A_565 = arith.index_cast %mul3A_557 : i32 to index
      %get3A_566 = tpu.vector_load %arg10[%get3A_564, %get3A_565] {strides = array<i32>} : memref<8x768xf32, #tpu.memory_space<vmem>>, vector<1x16xf32>,
      %get3A_567 = vector.shape_cast %get3A_566 : vector<1x16xf32> to vector<16xf32>
      %add3A_568 = arith.addf %get3A_562, %get3A_567 : vector<16xf32>
      %swap3A_569 = arith.constant 0 : i32
      %swap3A_570 = arith.index_cast %swap3A_569 : i32 to index
      %swap3A_571 = arith.index_cast %mul3A_557 : i32 to index
      %swap3A_572 = tpu.vector_load %arg9[%swap3A_570, %swap3A_571] {strides = array<i32>} : memref<8x768xf32, #tpu.memory_space<vmem>>, vector<1x16xf32>,
      %swap3A_573 = vector.shape_cast %swap3A_572 : vector<1x16xf32> to vector<16xf32>
      %swap3A_574 = vector.shape_cast %add3A_568 : vector<16xf32> to vector<1x16xf32>
      tpu.vector_store %arg9[%swap3A_570, %swap3A_571], %swap3A_574 {strides = array<i32>} : memref<8x768xf32, #tpu.memory_space<vmem>>, vector<1x16xf32>,
      %mul3A_575 = arith.constant 4 : i32
      %mul3A_576 = arith.muli %scan3A_507, %mul3A_575 : i32
      %add3A_577 = arith.constant 3 : i32
      %add3A_578 = arith.addi %mul3A_576, %add3A_577 : i32
      %mul3A_579 = arith.constant 16 : i32
      %mul3A_580 = arith.muli %add3A_578, %mul3A_579 : i32
      %get3A_581 = arith.constant 0 : i32
      %get3A_582 = arith.index_cast %get3A_581 : i32 to index
      %get3A_583 = arith.index_cast %mul3A_580 : i32 to index
      %get3A_584 = tpu.vector_load %arg9[%get3A_582, %get3A_583] {strides = array<i32>} : memref<8x768xf32, #tpu.memory_space<vmem>>, vector<1x16xf32>,
      %get3A_585 = vector.shape_cast %get3A_584 : vector<1x16xf32> to vector<16xf32>
      %get3A_586 = arith.constant 0 : i32
      %get3A_587 = arith.index_cast %get3A_586 : i32 to index
      %get3A_588 = arith.index_cast %mul3A_580 : i32 to index
      %get3A_589 = tpu.vector_load %arg10[%get3A_587, %get3A_588] {strides = array<i32>} : memref<8x768xf32, #tpu.memory_space<vmem>>, vector<1x16xf32>,
      %get3A_590 = vector.shape_cast %get3A_589 : vector<1x16xf32> to vector<16xf32>
      %add3A_591 = arith.addf %get3A_585, %get3A_590 : vector<16xf32>
      %swap3A_592 = arith.constant 0 : i32
      %swap3A_593 = arith.index_cast %swap3A_592 : i32 to index
      %swap3A_594 = arith.index_cast %mul3A_580 : i32 to index
      %swap3A_595 = tpu.vector_load %arg9[%swap3A_593, %swap3A_594] {strides = array<i32>} : memref<8x768xf32, #tpu.memory_space<vmem>>, vector<1x16xf32>,
      %swap3A_596 = vector.shape_cast %swap3A_595 : vector<1x16xf32> to vector<16xf32>
      %swap3A_597 = vector.shape_cast %add3A_591 : vector<16xf32> to vector<1x16xf32>
      tpu.vector_store %arg9[%swap3A_593, %swap3A_594], %swap3A_597 {strides = array<i32>} : memref<8x768xf32, #tpu.memory_space<vmem>>, vector<1x16xf32>,
    }
    %scan3A_24 = arith.constant 12 : i32
    %scan3A_25 = arith.constant 0 : i32
    %scan3A_26 = arith.constant 12 : i32
    %scan3A_27 = arith.addi %scan3A_25, %scan3A_26 : i32
    %scan3A_28 = arith.constant 1 : i32
    scf.for %scan3A_507 = %scan3A_25 to %scan3A_27 step %scan3A_28  : i32 {
      %mul3A_508 = arith.constant 4 : i32
      %mul3A_509 = arith.muli %scan3A_507, %mul3A_508 : i32
      %add3A_510 = arith.constant 0 : i32
      %add3A_511 = arith.addi %mul3A_509, %add3A_510 : i32
      %mul3A_512 = arith.constant 16 : i32
      %mul3A_513 = arith.muli %add3A_511, %mul3A_512 : i32
      %get3A = arith.constant 1 : i32
      %get3A_514 = arith.index_cast %get3A : i32 to index
      %get3A_515 = arith.index_cast %mul3A_513 : i32 to index
      %get3A_516 = tpu.vector_load %arg9[%get3A_514, %get3A_515] {strides = array<i32>} : memref<8x768xf32, #tpu.memory_space<vmem>>, vector<1x16xf32>,
      %get3A_517 = vector.shape_cast %get3A_516 : vector<1x16xf32> to vector<16xf32>
      %get3A_518 = arith.constant 1 : i32
      %get3A_519 = arith.index_cast %get3A_518 : i32 to index
      %get3A_520 = arith.index_cast %mul3A_513 : i32 to index
      %get3A_521 = tpu.vector_load %arg10[%get3A_519, %get3A_520] {strides = array<i32>} : memref<8x768xf32, #tpu.memory_space<vmem>>, vector<1x16xf32>,
      %get3A_522 = vector.shape_cast %get3A_521 : vector<1x16xf32> to vector<16xf32>
      %add3A_523 = arith.addf %get3A_517, %get3A_522 : vector<16xf32>
      %swap3A = arith.constant 1 : i32
      %swap3A_524 = arith.index_cast %swap3A : i32 to index
      %swap3A_525 = arith.index_cast %mul3A_513 : i32 to index
      %swap3A_526 = tpu.vector_load %arg9[%swap3A_524, %swap3A_525] {strides = array<i32>} : memref<8x768xf32, #tpu.memory_space<vmem>>, vector<1x16xf32>,
      %swap3A_527 = vector.shape_cast %swap3A_526 : vector<1x16xf32> to vector<16xf32>
      %swap3A_528 = vector.shape_cast %add3A_523 : vector<16xf32> to vector<1x16xf32>
      tpu.vector_store %arg9[%swap3A_524, %swap3A_525], %swap3A_528 {strides = array<i32>} : memref<8x768xf32, #tpu.memory_space<vmem>>, vector<1x16xf32>,
      %mul3A_529 = arith.constant 4 : i32
      %mul3A_530 = arith.muli %scan3A_507, %mul3A_529 : i32
      %add3A_531 = arith.constant 1 : i32
      %add3A_532 = arith.addi %mul3A_530, %add3A_531 : i32
      %mul3A_533 = arith.constant 16 : i32
      %mul3A_534 = arith.muli %add3A_532, %mul3A_533 : i32
      %get3A_535 = arith.constant 1 : i32
      %get3A_536 = arith.index_cast %get3A_535 : i32 to index
      %get3A_537 = arith.index_cast %mul3A_534 : i32 to index
      %get3A_538 = tpu.vector_load %arg9[%get3A_536, %get3A_537] {strides = array<i32>} : memref<8x768xf32, #tpu.memory_space<vmem>>, vector<1x16xf32>,
      %get3A_539 = vector.shape_cast %get3A_538 : vector<1x16xf32> to vector<16xf32>
      %get3A_540 = arith.constant 1 : i32
      %get3A_541 = arith.index_cast %get3A_540 : i32 to index
      %get3A_542 = arith.index_cast %mul3A_534 : i32 to index
      %get3A_543 = tpu.vector_load %arg10[%get3A_541, %get3A_542] {strides = array<i32>} : memref<8x768xf32, #tpu.memory_space<vmem>>, vector<1x16xf32>,
      %get3A_544 = vector.shape_cast %get3A_543 : vector<1x16xf32> to vector<16xf32>
      %add3A_545 = arith.addf %get3A_539, %get3A_544 : vector<16xf32>
      %swap3A_546 = arith.constant 1 : i32
      %swap3A_547 = arith.index_cast %swap3A_546 : i32 to index
      %swap3A_548 = arith.index_cast %mul3A_534 : i32 to index
      %swap3A_549 = tpu.vector_load %arg9[%swap3A_547, %swap3A_548] {strides = array<i32>} : memref<8x768xf32, #tpu.memory_space<vmem>>, vector<1x16xf32>,
      %swap3A_550 = vector.shape_cast %swap3A_549 : vector<1x16xf32> to vector<16xf32>
      %swap3A_551 = vector.shape_cast %add3A_545 : vector<16xf32> to vector<1x16xf32>
      tpu.vector_store %arg9[%swap3A_547, %swap3A_548], %swap3A_551 {strides = array<i32>} : memref<8x768xf32, #tpu.memory_space<vmem>>, vector<1x16xf32>,
      %mul3A_552 = arith.constant 4 : i32
      %mul3A_553 = arith.muli %scan3A_507, %mul3A_552 : i32
      %add3A_554 = arith.constant 2 : i32
      %add3A_555 = arith.addi %mul3A_553, %add3A_554 : i32
      %mul3A_556 = arith.constant 16 : i32
      %mul3A_557 = arith.muli %add3A_555, %mul3A_556 : i32
      %get3A_558 = arith.constant 1 : i32
      %get3A_559 = arith.index_cast %get3A_558 : i32 to index
      %get3A_560 = arith.index_cast %mul3A_557 : i32 to index
      %get3A_561 = tpu.vector_load %arg9[%get3A_559, %get3A_560] {strides = array<i32>} : memref<8x768xf32, #tpu.memory_space<vmem>>, vector<1x16xf32>,
      %get3A_562 = vector.shape_cast %get3A_561 : vector<1x16xf32> to vector<16xf32>
      %get3A_563 = arith.constant 1 : i32
      %get3A_564 = arith.index_cast %get3A_563 : i32 to index
      %get3A_565 = arith.index_cast %mul3A_557 : i32 to index
      %get3A_566 = tpu.vector_load %arg10[%get3A_564, %get3A_565] {strides = array<i32>} : memref<8x768xf32, #tpu.memory_space<vmem>>, vector<1x16xf32>,
      %get3A_567 = vector.shape_cast %get3A_566 : vector<1x16xf32> to vector<16xf32>
      %add3A_568 = arith.addf %get3A_562, %get3A_567 : vector<16xf32>
      %swap3A_569 = arith.constant 1 : i32
      %swap3A_570 = arith.index_cast %swap3A_569 : i32 to index
      %swap3A_571 = arith.index_cast %mul3A_557 : i32 to index
      %swap3A_572 = tpu.vector_load %arg9[%swap3A_570, %swap3A_571] {strides = array<i32>} : memref<8x768xf32, #tpu.memory_space<vmem>>, vector<1x16xf32>,
      %swap3A_573 = vector.shape_cast %swap3A_572 : vector<1x16xf32> to vector<16xf32>
      %swap3A_574 = vector.shape_cast %add3A_568 : vector<16xf32> to vector<1x16xf32>
      tpu.vector_store %arg9[%swap3A_570, %swap3A_571], %swap3A_574 {strides = array<i32>} : memref<8x768xf32, #tpu.memory_space<vmem>>, vector<1x16xf32>,
      %mul3A_575 = arith.constant 4 : i32
      %mul3A_576 = arith.muli %scan3A_507, %mul3A_575 : i32
      %add3A_577 = arith.constant 3 : i32
      %add3A_578 = arith.addi %mul3A_576, %add3A_577 : i32
      %mul3A_579 = arith.constant 16 : i32
      %mul3A_580 = arith.muli %add3A_578, %mul3A_579 : i32
      %get3A_581 = arith.constant 1 : i32
      %get3A_582 = arith.index_cast %get3A_581 : i32 to index
      %get3A_583 = arith.index_cast %mul3A_580 : i32 to index
      %get3A_584 = tpu.vector_load %arg9[%get3A_582, %get3A_583] {strides = array<i32>} : memref<8x768xf32, #tpu.memory_space<vmem>>, vector<1x16xf32>,
      %get3A_585 = vector.shape_cast %get3A_584 : vector<1x16xf32> to vector<16xf32>
      %get3A_586 = arith.constant 1 : i32
      %get3A_587 = arith.index_cast %get3A_586 : i32 to index
      %get3A_588 = arith.index_cast %mul3A_580 : i32 to index
      %get3A_589 = tpu.vector_load %arg10[%get3A_587, %get3A_588] {strides = array<i32>} : memref<8x768xf32, #tpu.memory_space<vmem>>, vector<1x16xf32>,
      %get3A_590 = vector.shape_cast %get3A_589 : vector<1x16xf32> to vector<16xf32>
      %add3A_591 = arith.addf %get3A_585, %get3A_590 : vector<16xf32>
      %swap3A_592 = arith.constant 1 : i32
      %swap3A_593 = arith.index_cast %swap3A_592 : i32 to index
      %swap3A_594 = arith.index_cast %mul3A_580 : i32 to index
      %swap3A_595 = tpu.vector_load %arg9[%swap3A_593, %swap3A_594] {strides = array<i32>} : memref<8x768xf32, #tpu.memory_space<vmem>>, vector<1x16xf32>,
      %swap3A_596 = vector.shape_cast %swap3A_595 : vector<1x16xf32> to vector<16xf32>
      %swap3A_597 = vector.shape_cast %add3A_591 : vector<16xf32> to vector<1x16xf32>
      tpu.vector_store %arg9[%swap3A_593, %swap3A_594], %swap3A_597 {strides = array<i32>} : memref<8x768xf32, #tpu.memory_space<vmem>>, vector<1x16xf32>,
    }
    %scan3A_29 = arith.constant 12 : i32
    %scan3A_30 = arith.constant 0 : i32
    %scan3A_31 = arith.constant 12 : i32
    %scan3A_32 = arith.addi %scan3A_30, %scan3A_31 : i32
    %scan3A_33 = arith.constant 1 : i32
    scf.for %scan3A_507 = %scan3A_30 to %scan3A_32 step %scan3A_33  : i32 {
      %mul3A_508 = arith.constant 4 : i32
      %mul3A_509 = arith.muli %scan3A_507, %mul3A_508 : i32
      %add3A_510 = arith.constant 0 : i32
      %add3A_511 = arith.addi %mul3A_509, %add3A_510 : i32
      %mul3A_512 = arith.constant 16 : i32
      %mul3A_513 = arith.muli %add3A_511, %mul3A_512 : i32
      %get3A = arith.constant 2 : i32
      %get3A_514 = arith.index_cast %get3A : i32 to index
      %get3A_515 = arith.index_cast %mul3A_513 : i32 to index
      %get3A_516 = tpu.vector_load %arg9[%get3A_514, %get3A_515] {strides = array<i32>} : memref<8x768xf32, #tpu.memory_space<vmem>>, vector<1x16xf32>,
      %get3A_517 = vector.shape_cast %get3A_516 : vector<1x16xf32> to vector<16xf32>
      %get3A_518 = arith.constant 2 : i32
      %get3A_519 = arith.index_cast %get3A_518 : i32 to index
      %get3A_520 = arith.index_cast %mul3A_513 : i32 to index
      %get3A_521 = tpu.vector_load %arg10[%get3A_519, %get3A_520] {strides = array<i32>} : memref<8x768xf32, #tpu.memory_space<vmem>>, vector<1x16xf32>,
      %get3A_522 = vector.shape_cast %get3A_521 : vector<1x16xf32> to vector<16xf32>
      %add3A_523 = arith.addf %get3A_517, %get3A_522 : vector<16xf32>
      %swap3A = arith.constant 2 : i32
      %swap3A_524 = arith.index_cast %swap3A : i32 to index
      %swap3A_525 = arith.index_cast %mul3A_513 : i32 to index
      %swap3A_526 = tpu.vector_load %arg9[%swap3A_524, %swap3A_525] {strides = array<i32>} : memref<8x768xf32, #tpu.memory_space<vmem>>, vector<1x16xf32>,
      %swap3A_527 = vector.shape_cast %swap3A_526 : vector<1x16xf32> to vector<16xf32>
      %swap3A_528 = vector.shape_cast %add3A_523 : vector<16xf32> to vector<1x16xf32>
      tpu.vector_store %arg9[%swap3A_524, %swap3A_525], %swap3A_528 {strides = array<i32>} : memref<8x768xf32, #tpu.memory_space<vmem>>, vector<1x16xf32>,
      %mul3A_529 = arith.constant 4 : i32
      %mul3A_530 = arith.muli %scan3A_507, %mul3A_529 : i32
      %add3A_531 = arith.constant 1 : i32
      %add3A_532 = arith.addi %mul3A_530, %add3A_531 : i32
      %mul3A_533 = arith.constant 16 : i32
      %mul3A_534 = arith.muli %add3A_532, %mul3A_533 : i32
      %get3A_535 = arith.constant 2 : i32
      %get3A_536 = arith.index_cast %get3A_535 : i32 to index
      %get3A_537 = arith.index_cast %mul3A_534 : i32 to index
      %get3A_538 = tpu.vector_load %arg9[%get3A_536, %get3A_537] {strides = array<i32>} : memref<8x768xf32, #tpu.memory_space<vmem>>, vector<1x16xf32>,
      %get3A_539 = vector.shape_cast %get3A_538 : vector<1x16xf32> to vector<16xf32>
      %get3A_540 = arith.constant 2 : i32
      %get3A_541 = arith.index_cast %get3A_540 : i32 to index
      %get3A_542 = arith.index_cast %mul3A_534 : i32 to index
      %get3A_543 = tpu.vector_load %arg10[%get3A_541, %get3A_542] {strides = array<i32>} : memref<8x768xf32, #tpu.memory_space<vmem>>, vector<1x16xf32>,
      %get3A_544 = vector.shape_cast %get3A_543 : vector<1x16xf32> to vector<16xf32>
      %add3A_545 = arith.addf %get3A_539, %get3A_544 : vector<16xf32>
      %swap3A_546 = arith.constant 2 : i32
      %swap3A_547 = arith.index_cast %swap3A_546 : i32 to index
      %swap3A_548 = arith.index_cast %mul3A_534 : i32 to index
      %swap3A_549 = tpu.vector_load %arg9[%swap3A_547, %swap3A_548] {strides = array<i32>} : memref<8x768xf32, #tpu.memory_space<vmem>>, vector<1x16xf32>,
      %swap3A_550 = vector.shape_cast %swap3A_549 : vector<1x16xf32> to vector<16xf32>
      %swap3A_551 = vector.shape_cast %add3A_545 : vector<16xf32> to vector<1x16xf32>
      tpu.vector_store %arg9[%swap3A_547, %swap3A_548], %swap3A_551 {strides = array<i32>} : memref<8x768xf32, #tpu.memory_space<vmem>>, vector<1x16xf32>,
      %mul3A_552 = arith.constant 4 : i32
      %mul3A_553 = arith.muli %scan3A_507, %mul3A_552 : i32
      %add3A_554 = arith.constant 2 : i32
      %add3A_555 = arith.addi %mul3A_553, %add3A_554 : i32
      %mul3A_556 = arith.constant 16 : i32
      %mul3A_557 = arith.muli %add3A_555, %mul3A_556 : i32
      %get3A_558 = arith.constant 2 : i32
      %get3A_559 = arith.index_cast %get3A_558 : i32 to index
      %get3A_560 = arith.index_cast %mul3A_557 : i32 to index
      %get3A_561 = tpu.vector_load %arg9[%get3A_559, %get3A_560] {strides = array<i32>} : memref<8x768xf32, #tpu.memory_space<vmem>>, vector<1x16xf32>,
      %get3A_562 = vector.shape_cast %get3A_561 : vector<1x16xf32> to vector<16xf32>
      %get3A_563 = arith.constant 2 : i32
      %get3A_564 = arith.index_cast %get3A_563 : i32 to index
      %get3A_565 = arith.index_cast %mul3A_557 : i32 to index
      %get3A_566 = tpu.vector_load %arg10[%get3A_564, %get3A_565] {strides = array<i32>} : memref<8x768xf32, #tpu.memory_space<vmem>>, vector<1x16xf32>,
      %get3A_567 = vector.shape_cast %get3A_566 : vector<1x16xf32> to vector<16xf32>
      %add3A_568 = arith.addf %get3A_562, %get3A_567 : vector<16xf32>
      %swap3A_569 = arith.constant 2 : i32
      %swap3A_570 = arith.index_cast %swap3A_569 : i32 to index
      %swap3A_571 = arith.index_cast %mul3A_557 : i32 to index
      %swap3A_572 = tpu.vector_load %arg9[%swap3A_570, %swap3A_571] {strides = array<i32>} : memref<8x768xf32, #tpu.memory_space<vmem>>, vector<1x16xf32>,
      %swap3A_573 = vector.shape_cast %swap3A_572 : vector<1x16xf32> to vector<16xf32>
      %swap3A_574 = vector.shape_cast %add3A_568 : vector<16xf32> to vector<1x16xf32>
      tpu.vector_store %arg9[%swap3A_570, %swap3A_571], %swap3A_574 {strides = array<i32>} : memref<8x768xf32, #tpu.memory_space<vmem>>, vector<1x16xf32>,
      %mul3A_575 = arith.constant 4 : i32
      %mul3A_576 = arith.muli %scan3A_507, %mul3A_575 : i32
      %add3A_577 = arith.constant 3 : i32
      %add3A_578 = arith.addi %mul3A_576, %add3A_577 : i32
      %mul3A_579 = arith.constant 16 : i32
      %mul3A_580 = arith.muli %add3A_578, %mul3A_579 : i32
      %get3A_581 = arith.constant 2 : i32
      %get3A_582 = arith.index_cast %get3A_581 : i32 to index
      %get3A_583 = arith.index_cast %mul3A_580 : i32 to index
      %get3A_584 = tpu.vector_load %arg9[%get3A_582, %get3A_583] {strides = array<i32>} : memref<8x768xf32, #tpu.memory_space<vmem>>, vector<1x16xf32>,
      %get3A_585 = vector.shape_cast %get3A_584 : vector<1x16xf32> to vector<16xf32>
      %get3A_586 = arith.constant 2 : i32
      %get3A_587 = arith.index_cast %get3A_586 : i32 to index
      %get3A_588 = arith.index_cast %mul3A_580 : i32 to index
      %get3A_589 = tpu.vector_load %arg10[%get3A_587, %get3A_588] {strides = array<i32>} : memref<8x768xf32, #tpu.memory_space<vmem>>, vector<1x16xf32>,
      %get3A_590 = vector.shape_cast %get3A_589 : vector<1x16xf32> to vector<16xf32>
      %add3A_591 = arith.addf %get3A_585, %get3A_590 : vector<16xf32>
      %swap3A_592 = arith.constant 2 : i32
      %swap3A_593 = arith.index_cast %swap3A_592 : i32 to index
      %swap3A_594 = arith.index_cast %mul3A_580 : i32 to index
      %swap3A_595 = tpu.vector_load %arg9[%swap3A_593, %swap3A_594] {strides = array<i32>} : memref<8x768xf32, #tpu.memory_space<vmem>>, vector<1x16xf32>,
      %swap3A_596 = vector.shape_cast %swap3A_595 : vector<1x16xf32> to vector<16xf32>
      %swap3A_597 = vector.shape_cast %add3A_591 : vector<16xf32> to vector<1x16xf32>
      tpu.vector_store %arg9[%swap3A_593, %swap3A_594], %swap3A_597 {strides = array<i32>} : memref<8x768xf32, #tpu.memory_space<vmem>>, vector<1x16xf32>,
    }
    %scan3A_34 = arith.constant 12 : i32
    %scan3A_35 = arith.constant 0 : i32
    %scan3A_36 = arith.constant 12 : i32
    %scan3A_37 = arith.addi %scan3A_35, %scan3A_36 : i32
    %scan3A_38 = arith.constant 1 : i32
    scf.for %scan3A_507 = %scan3A_35 to %scan3A_37 step %scan3A_38  : i32 {
      %mul3A_508 = arith.constant 4 : i32
      %mul3A_509 = arith.muli %scan3A_507, %mul3A_508 : i32
      %add3A_510 = arith.constant 0 : i32
      %add3A_511 = arith.addi %mul3A_509, %add3A_510 : i32
      %mul3A_512 = arith.constant 16 : i32
      %mul3A_513 = arith.muli %add3A_511, %mul3A_512 : i32
      %get3A = arith.constant 3 : i32
      %get3A_514 = arith.index_cast %get3A : i32 to index
      %get3A_515 = arith.index_cast %mul3A_513 : i32 to index
      %get3A_516 = tpu.vector_load %arg9[%get3A_514, %get3A_515] {strides = array<i32>} : memref<8x768xf32, #tpu.memory_space<vmem>>, vector<1x16xf32>,
      %get3A_517 = vector.shape_cast %get3A_516 : vector<1x16xf32> to vector<16xf32>
      %get3A_518 = arith.constant 3 : i32
      %get3A_519 = arith.index_cast %get3A_518 : i32 to index
      %get3A_520 = arith.index_cast %mul3A_513 : i32 to index
      %get3A_521 = tpu.vector_load %arg10[%get3A_519, %get3A_520] {strides = array<i32>} : memref<8x768xf32, #tpu.memory_space<vmem>>, vector<1x16xf32>,
      %get3A_522 = vector.shape_cast %get3A_521 : vector<1x16xf32> to vector<16xf32>
      %add3A_523 = arith.addf %get3A_517, %get3A_522 : vector<16xf32>
      %swap3A = arith.constant 3 : i32
      %swap3A_524 = arith.index_cast %swap3A : i32 to index
      %swap3A_525 = arith.index_cast %mul3A_513 : i32 to index
      %swap3A_526 = tpu.vector_load %arg9[%swap3A_524, %swap3A_525] {strides = array<i32>} : memref<8x768xf32, #tpu.memory_space<vmem>>, vector<1x16xf32>,
      %swap3A_527 = vector.shape_cast %swap3A_526 : vector<1x16xf32> to vector<16xf32>
      %swap3A_528 = vector.shape_cast %add3A_523 : vector<16xf32> to vector<1x16xf32>
      tpu.vector_store %arg9[%swap3A_524, %swap3A_525], %swap3A_528 {strides = array<i32>} : memref<8x768xf32, #tpu.memory_space<vmem>>, vector<1x16xf32>,
      %mul3A_529 = arith.constant 4 : i32
      %mul3A_530 = arith.muli %scan3A_507, %mul3A_529 : i32
      %add3A_531 = arith.constant 1 : i32
      %add3A_532 = arith.addi %mul3A_530, %add3A_531 : i32
      %mul3A_533 = arith.constant 16 : i32
      %mul3A_534 = arith.muli %add3A_532, %mul3A_533 : i32
      %get3A_535 = arith.constant 3 : i32
      %get3A_536 = arith.index_cast %get3A_535 : i32 to index
      %get3A_537 = arith.index_cast %mul3A_534 : i32 to index
      %get3A_538 = tpu.vector_load %arg9[%get3A_536, %get3A_537] {strides = array<i32>} : memref<8x768xf32, #tpu.memory_space<vmem>>, vector<1x16xf32>,
      %get3A_539 = vector.shape_cast %get3A_538 : vector<1x16xf32> to vector<16xf32>
      %get3A_540 = arith.constant 3 : i32
      %get3A_541 = arith.index_cast %get3A_540 : i32 to index
      %get3A_542 = arith.index_cast %mul3A_534 : i32 to index
      %get3A_543 = tpu.vector_load %arg10[%get3A_541, %get3A_542] {strides = array<i32>} : memref<8x768xf32, #tpu.memory_space<vmem>>, vector<1x16xf32>,
      %get3A_544 = vector.shape_cast %get3A_543 : vector<1x16xf32> to vector<16xf32>
      %add3A_545 = arith.addf %get3A_539, %get3A_544 : vector<16xf32>
      %swap3A_546 = arith.constant 3 : i32
      %swap3A_547 = arith.index_cast %swap3A_546 : i32 to index
      %swap3A_548 = arith.index_cast %mul3A_534 : i32 to index
      %swap3A_549 = tpu.vector_load %arg9[%swap3A_547, %swap3A_548] {strides = array<i32>} : memref<8x768xf32, #tpu.memory_space<vmem>>, vector<1x16xf32>,
      %swap3A_550 = vector.shape_cast %swap3A_549 : vector<1x16xf32> to vector<16xf32>
      %swap3A_551 = vector.shape_cast %add3A_545 : vector<16xf32> to vector<1x16xf32>
      tpu.vector_store %arg9[%swap3A_547, %swap3A_548], %swap3A_551 {strides = array<i32>} : memref<8x768xf32, #tpu.memory_space<vmem>>, vector<1x16xf32>,
      %mul3A_552 = arith.constant 4 : i32
      %mul3A_553 = arith.muli %scan3A_507, %mul3A_552 : i32
      %add3A_554 = arith.constant 2 : i32
      %add3A_555 = arith.addi %mul3A_553, %add3A_554 : i32
      %mul3A_556 = arith.constant 16 : i32
      %mul3A_557 = arith.muli %add3A_555, %mul3A_556 : i32
      %get3A_558 = arith.constant 3 : i32
      %get3A_559 = arith.index_cast %get3A_558 : i32 to index
      %get3A_560 = arith.index_cast %mul3A_557 : i32 to index
      %get3A_561 = tpu.vector_load %arg9[%get3A_559, %get3A_560] {strides = array<i32>} : memref<8x768xf32, #tpu.memory_space<vmem>>, vector<1x16xf32>,
      %get3A_562 = vector.shape_cast %get3A_561 : vector<1x16xf32> to vector<16xf32>
      %get3A_563 = arith.constant 3 : i32
      %get3A_564 = arith.index_cast %get3A_563 : i32 to index
      %get3A_565 = arith.index_cast %mul3A_557 : i32 to index
      %get3A_566 = tpu.vector_load %arg10[%get3A_564, %get3A_565] {strides = array<i32>} : memref<8x768xf32, #tpu.memory_space<vmem>>, vector<1x16xf32>,
      %get3A_567 = vector.shape_cast %get3A_566 : vector<1x16xf32> to vector<16xf32>
      %add3A_568 = arith.addf %get3A_562, %get3A_567 : vector<16xf32>
      %swap3A_569 = arith.constant 3 : i32
      %swap3A_570 = arith.index_cast %swap3A_569 : i32 to index
      %swap3A_571 = arith.index_cast %mul3A_557 : i32 to index
      %swap3A_572 = tpu.vector_load %arg9[%swap3A_570, %swap3A_571] {strides = array<i32>} : memref<8x768xf32, #tpu.memory_space<vmem>>, vector<1x16xf32>,
      %swap3A_573 = vector.shape_cast %swap3A_572 : vector<1x16xf32> to vector<16xf32>
      %swap3A_574 = vector.shape_cast %add3A_568 : vector<16xf32> to vector<1x16xf32>
      tpu.vector_store %arg9[%swap3A_570, %swap3A_571], %swap3A_574 {strides = array<i32>} : memref<8x768xf32, #tpu.memory_space<vmem>>, vector<1x16xf32>,
      %mul3A_575 = arith.constant 4 : i32
      %mul3A_576 = arith.muli %scan3A_507, %mul3A_575 : i32
      %add3A_577 = arith.constant 3 : i32
      %add3A_578 = arith.addi %mul3A_576, %add3A_577 : i32
      %mul3A_579 = arith.constant 16 : i32
      %mul3A_580 = arith.muli %add3A_578, %mul3A_579 : i32
      %get3A_581 = arith.constant 3 : i32
      %get3A_582 = arith.index_cast %get3A_581 : i32 to index
      %get3A_583 = arith.index_cast %mul3A_580 : i32 to index
      %get3A_584 = tpu.vector_load %arg9[%get3A_582, %get3A_583] {strides = array<i32>} : memref<8x768xf32, #tpu.memory_space<vmem>>, vector<1x16xf32>,
      %get3A_585 = vector.shape_cast %get3A_584 : vector<1x16xf32> to vector<16xf32>
      %get3A_586 = arith.constant 3 : i32
      %get3A_587 = arith.index_cast %get3A_586 : i32 to index
      %get3A_588 = arith.index_cast %mul3A_580 : i32 to index
      %get3A_589 = tpu.vector_load %arg10[%get3A_587, %get3A_588] {strides = array<i32>} : memref<8x768xf32, #tpu.memory_space<vmem>>, vector<1x16xf32>,
      %get3A_590 = vector.shape_cast %get3A_589 : vector<1x16xf32> to vector<16xf32>
      %add3A_591 = arith.addf %get3A_585, %get3A_590 : vector<16xf32>
      %swap3A_592 = arith.constant 3 : i32
      %swap3A_593 = arith.index_cast %swap3A_592 : i32 to index
      %swap3A_594 = arith.index_cast %mul3A_580 : i32 to index
      %swap3A_595 = tpu.vector_load %arg9[%swap3A_593, %swap3A_594] {strides = array<i32>} : memref<8x768xf32, #tpu.memory_space<vmem>>, vector<1x16xf32>,
      %swap3A_596 = vector.shape_cast %swap3A_595 : vector<1x16xf32> to vector<16xf32>
      %swap3A_597 = vector.shape_cast %add3A_591 : vector<16xf32> to vector<1x16xf32>
      tpu.vector_store %arg9[%swap3A_593, %swap3A_594], %swap3A_597 {strides = array<i32>} : memref<8x768xf32, #tpu.memory_space<vmem>>, vector<1x16xf32>,
    }
    %scan3A_39 = arith.constant 12 : i32
    %scan3A_40 = arith.constant 0 : i32
    %scan3A_41 = arith.constant 12 : i32
    %scan3A_42 = arith.addi %scan3A_40, %scan3A_41 : i32
    %scan3A_43 = arith.constant 1 : i32
    scf.for %scan3A_507 = %scan3A_40 to %scan3A_42 step %scan3A_43  : i32 {
      %mul3A_508 = arith.constant 4 : i32
      %mul3A_509 = arith.muli %scan3A_507, %mul3A_508 : i32
      %add3A_510 = arith.constant 0 : i32
      %add3A_511 = arith.addi %mul3A_509, %add3A_510 : i32
      %mul3A_512 = arith.constant 16 : i32
      %mul3A_513 = arith.muli %add3A_511, %mul3A_512 : i32
      %get3A = arith.constant 4 : i32
      %get3A_514 = arith.index_cast %get3A : i32 to index
      %get3A_515 = arith.index_cast %mul3A_513 : i32 to index
      %get3A_516 = tpu.vector_load %arg9[%get3A_514, %get3A_515] {strides = array<i32>} : memref<8x768xf32, #tpu.memory_space<vmem>>, vector<1x16xf32>,
      %get3A_517 = vector.shape_cast %get3A_516 : vector<1x16xf32> to vector<16xf32>
      %get3A_518 = arith.constant 4 : i32
      %get3A_519 = arith.index_cast %get3A_518 : i32 to index
      %get3A_520 = arith.index_cast %mul3A_513 : i32 to index
      %get3A_521 = tpu.vector_load %arg10[%get3A_519, %get3A_520] {strides = array<i32>} : memref<8x768xf32, #tpu.memory_space<vmem>>, vector<1x16xf32>,
      %get3A_522 = vector.shape_cast %get3A_521 : vector<1x16xf32> to vector<16xf32>
      %add3A_523 = arith.addf %get3A_517, %get3A_522 : vector<16xf32>
      %swap3A = arith.constant 4 : i32
      %swap3A_524 = arith.index_cast %swap3A : i32 to index
      %swap3A_525 = arith.index_cast %mul3A_513 : i32 to index
      %swap3A_526 = tpu.vector_load %arg9[%swap3A_524, %swap3A_525] {strides = array<i32>} : memref<8x768xf32, #tpu.memory_space<vmem>>, vector<1x16xf32>,
      %swap3A_527 = vector.shape_cast %swap3A_526 : vector<1x16xf32> to vector<16xf32>
      %swap3A_528 = vector.shape_cast %add3A_523 : vector<16xf32> to vector<1x16xf32>
      tpu.vector_store %arg9[%swap3A_524, %swap3A_525], %swap3A_528 {strides = array<i32>} : memref<8x768xf32, #tpu.memory_space<vmem>>, vector<1x16xf32>,
      %mul3A_529 = arith.constant 4 : i32
      %mul3A_530 = arith.muli %scan3A_507, %mul3A_529 : i32
      %add3A_531 = arith.constant 1 : i32
      %add3A_532 = arith.addi %mul3A_530, %add3A_531 : i32
      %mul3A_533 = arith.constant 16 : i32
      %mul3A_534 = arith.muli %add3A_532, %mul3A_533 : i32
      %get3A_535 = arith.constant 4 : i32
      %get3A_536 = arith.index_cast %get3A_535 : i32 to index
      %get3A_537 = arith.index_cast %mul3A_534 : i32 to index
      %get3A_538 = tpu.vector_load %arg9[%get3A_536, %get3A_537] {strides = array<i32>} : memref<8x768xf32, #tpu.memory_space<vmem>>, vector<1x16xf32>,
      %get3A_539 = vector.shape_cast %get3A_538 : vector<1x16xf32> to vector<16xf32>
      %get3A_540 = arith.constant 4 : i32
      %get3A_541 = arith.index_cast %get3A_540 : i32 to index
      %get3A_542 = arith.index_cast %mul3A_534 : i32 to index
      %get3A_543 = tpu.vector_load %arg10[%get3A_541, %get3A_542] {strides = array<i32>} : memref<8x768xf32, #tpu.memory_space<vmem>>, vector<1x16xf32>,
      %get3A_544 = vector.shape_cast %get3A_543 : vector<1x16xf32> to vector<16xf32>
      %add3A_545 = arith.addf %get3A_539, %get3A_544 : vector<16xf32>
      %swap3A_546 = arith.constant 4 : i32
      %swap3A_547 = arith.index_cast %swap3A_546 : i32 to index
      %swap3A_548 = arith.index_cast %mul3A_534 : i32 to index
      %swap3A_549 = tpu.vector_load %arg9[%swap3A_547, %swap3A_548] {strides = array<i32>} : memref<8x768xf32, #tpu.memory_space<vmem>>, vector<1x16xf32>,
      %swap3A_550 = vector.shape_cast %swap3A_549 : vector<1x16xf32> to vector<16xf32>
      %swap3A_551 = vector.shape_cast %add3A_545 : vector<16xf32> to vector<1x16xf32>
      tpu.vector_store %arg9[%swap3A_547, %swap3A_548], %swap3A_551 {strides = array<i32>} : memref<8x768xf32, #tpu.memory_space<vmem>>, vector<1x16xf32>,
      %mul3A_552 = arith.constant 4 : i32
      %mul3A_553 = arith.muli %scan3A_507, %mul3A_552 : i32
      %add3A_554 = arith.constant 2 : i32
      %add3A_555 = arith.addi %mul3A_553, %add3A_554 : i32
      %mul3A_556 = arith.constant 16 : i32
      %mul3A_557 = arith.muli %add3A_555, %mul3A_556 : i32
      %get3A_558 = arith.constant 4 : i32
      %get3A_559 = arith.index_cast %get3A_558 : i32 to index
      %get3A_560 = arith.index_cast %mul3A_557 : i32 to index
      %get3A_561 = tpu.vector_load %arg9[%get3A_559, %get3A_560] {strides = array<i32>} : memref<8x768xf32, #tpu.memory_space<vmem>>, vector<1x16xf32>,
      %get3A_562 = vector.shape_cast %get3A_561 : vector<1x16xf32> to vector<16xf32>
      %get3A_563 = arith.constant 4 : i32
      %get3A_564 = arith.index_cast %get3A_563 : i32 to index
      %get3A_565 = arith.index_cast %mul3A_557 : i32 to index
      %get3A_566 = tpu.vector_load %arg10[%get3A_564, %get3A_565] {strides = array<i32>} : memref<8x768xf32, #tpu.memory_space<vmem>>, vector<1x16xf32>,
      %get3A_567 = vector.shape_cast %get3A_566 : vector<1x16xf32> to vector<16xf32>
      %add3A_568 = arith.addf %get3A_562, %get3A_567 : vector<16xf32>
      %swap3A_569 = arith.constant 4 : i32
      %swap3A_570 = arith.index_cast %swap3A_569 : i32 to index
      %swap3A_571 = arith.index_cast %mul3A_557 : i32 to index
      %swap3A_572 = tpu.vector_load %arg9[%swap3A_570, %swap3A_571] {strides = array<i32>} : memref<8x768xf32, #tpu.memory_space<vmem>>, vector<1x16xf32>,
      %swap3A_573 = vector.shape_cast %swap3A_572 : vector<1x16xf32> to vector<16xf32>
      %swap3A_574 = vector.shape_cast %add3A_568 : vector<16xf32> to vector<1x16xf32>
      tpu.vector_store %arg9[%swap3A_570, %swap3A_571], %swap3A_574 {strides = array<i32>} : memref<8x768xf32, #tpu.memory_space<vmem>>, vector<1x16xf32>,
      %mul3A_575 = arith.constant 4 : i32
      %mul3A_576 = arith.muli %scan3A_507, %mul3A_575 : i32
      %add3A_577 = arith.constant 3 : i32
      %add3A_578 = arith.addi %mul3A_576, %add3A_577 : i32
      %mul3A_579 = arith.constant 16 : i32
      %mul3A_580 = arith.muli %add3A_578, %mul3A_579 : i32
      %get3A_581 = arith.constant 4 : i32
      %get3A_582 = arith.index_cast %get3A_581 : i32 to index
      %get3A_583 = arith.index_cast %mul3A_580 : i32 to index
      %get3A_584 = tpu.vector_load %arg9[%get3A_582, %get3A_583] {strides = array<i32>} : memref<8x768xf32, #tpu.memory_space<vmem>>, vector<1x16xf32>,
      %get3A_585 = vector.shape_cast %get3A_584 : vector<1x16xf32> to vector<16xf32>
      %get3A_586 = arith.constant 4 : i32
      %get3A_587 = arith.index_cast %get3A_586 : i32 to index
      %get3A_588 = arith.index_cast %mul3A_580 : i32 to index
      %get3A_589 = tpu.vector_load %arg10[%get3A_587, %get3A_588] {strides = array<i32>} : memref<8x768xf32, #tpu.memory_space<vmem>>, vector<1x16xf32>,
      %get3A_590 = vector.shape_cast %get3A_589 : vector<1x16xf32> to vector<16xf32>
      %add3A_591 = arith.addf %get3A_585, %get3A_590 : vector<16xf32>
      %swap3A_592 = arith.constant 4 : i32
      %swap3A_593 = arith.index_cast %swap3A_592 : i32 to index
      %swap3A_594 = arith.index_cast %mul3A_580 : i32 to index
      %swap3A_595 = tpu.vector_load %arg9[%swap3A_593, %swap3A_594] {strides = array<i32>} : memref<8x768xf32, #tpu.memory_space<vmem>>, vector<1x16xf32>,
      %swap3A_596 = vector.shape_cast %swap3A_595 : vector<1x16xf32> to vector<16xf32>
      %swap3A_597 = vector.shape_cast %add3A_591 : vector<16xf32> to vector<1x16xf32>
      tpu.vector_store %arg9[%swap3A_593, %swap3A_594], %swap3A_597 {strides = array<i32>} : memref<8x768xf32, #tpu.memory_space<vmem>>, vector<1x16xf32>,
    }
    %scan3A_44 = arith.constant 12 : i32
    %scan3A_45 = arith.constant 0 : i32
    %scan3A_46 = arith.constant 12 : i32
    %scan3A_47 = arith.addi %scan3A_45, %scan3A_46 : i32
    %scan3A_48 = arith.constant 1 : i32
    scf.for %scan3A_507 = %scan3A_45 to %scan3A_47 step %scan3A_48  : i32 {
      %mul3A_508 = arith.constant 4 : i32
      %mul3A_509 = arith.muli %scan3A_507, %mul3A_508 : i32
      %add3A_510 = arith.constant 0 : i32
      %add3A_511 = arith.addi %mul3A_509, %add3A_510 : i32
      %mul3A_512 = arith.constant 16 : i32
      %mul3A_513 = arith.muli %add3A_511, %mul3A_512 : i32
      %get3A = arith.constant 5 : i32
      %get3A_514 = arith.index_cast %get3A : i32 to index
      %get3A_515 = arith.index_cast %mul3A_513 : i32 to index
      %get3A_516 = tpu.vector_load %arg9[%get3A_514, %get3A_515] {strides = array<i32>} : memref<8x768xf32, #tpu.memory_space<vmem>>, vector<1x16xf32>,
      %get3A_517 = vector.shape_cast %get3A_516 : vector<1x16xf32> to vector<16xf32>
      %get3A_518 = arith.constant 5 : i32
      %get3A_519 = arith.index_cast %get3A_518 : i32 to index
      %get3A_520 = arith.index_cast %mul3A_513 : i32 to index
      %get3A_521 = tpu.vector_load %arg10[%get3A_519, %get3A_520] {strides = array<i32>} : memref<8x768xf32, #tpu.memory_space<vmem>>, vector<1x16xf32>,
      %get3A_522 = vector.shape_cast %get3A_521 : vector<1x16xf32> to vector<16xf32>
      %add3A_523 = arith.addf %get3A_517, %get3A_522 : vector<16xf32>
      %swap3A = arith.constant 5 : i32
      %swap3A_524 = arith.index_cast %swap3A : i32 to index
      %swap3A_525 = arith.index_cast %mul3A_513 : i32 to index
      %swap3A_526 = tpu.vector_load %arg9[%swap3A_524, %swap3A_525] {strides = array<i32>} : memref<8x768xf32, #tpu.memory_space<vmem>>, vector<1x16xf32>,
      %swap3A_527 = vector.shape_cast %swap3A_526 : vector<1x16xf32> to vector<16xf32>
      %swap3A_528 = vector.shape_cast %add3A_523 : vector<16xf32> to vector<1x16xf32>
      tpu.vector_store %arg9[%swap3A_524, %swap3A_525], %swap3A_528 {strides = array<i32>} : memref<8x768xf32, #tpu.memory_space<vmem>>, vector<1x16xf32>,
      %mul3A_529 = arith.constant 4 : i32
      %mul3A_530 = arith.muli %scan3A_507, %mul3A_529 : i32
      %add3A_531 = arith.constant 1 : i32
      %add3A_532 = arith.addi %mul3A_530, %add3A_531 : i32
      %mul3A_533 = arith.constant 16 : i32
      %mul3A_534 = arith.muli %add3A_532, %mul3A_533 : i32
      %get3A_535 = arith.constant 5 : i32
      %get3A_536 = arith.index_cast %get3A_535 : i32 to index
      %get3A_537 = arith.index_cast %mul3A_534 : i32 to index
      %get3A_538 = tpu.vector_load %arg9[%get3A_536, %get3A_537] {strides = array<i32>} : memref<8x768xf32, #tpu.memory_space<vmem>>, vector<1x16xf32>,
      %get3A_539 = vector.shape_cast %get3A_538 : vector<1x16xf32> to vector<16xf32>
      %get3A_540 = arith.constant 5 : i32
      %get3A_541 = arith.index_cast %get3A_540 : i32 to index
      %get3A_542 = arith.index_cast %mul3A_534 : i32 to index
      %get3A_543 = tpu.vector_load %arg10[%get3A_541, %get3A_542] {strides = array<i32>} : memref<8x768xf32, #tpu.memory_space<vmem>>, vector<1x16xf32>,
      %get3A_544 = vector.shape_cast %get3A_543 : vector<1x16xf32> to vector<16xf32>
      %add3A_545 = arith.addf %get3A_539, %get3A_544 : vector<16xf32>
      %swap3A_546 = arith.constant 5 : i32
      %swap3A_547 = arith.index_cast %swap3A_546 : i32 to index
      %swap3A_548 = arith.index_cast %mul3A_534 : i32 to index
      %swap3A_549 = tpu.vector_load %arg9[%swap3A_547, %swap3A_548] {strides = array<i32>} : memref<8x768xf32, #tpu.memory_space<vmem>>, vector<1x16xf32>,
      %swap3A_550 = vector.shape_cast %swap3A_549 : vector<1x16xf32> to vector<16xf32>
      %swap3A_551 = vector.shape_cast %add3A_545 : vector<16xf32> to vector<1x16xf32>
      tpu.vector_store %arg9[%swap3A_547, %swap3A_548], %swap3A_551 {strides = array<i32>} : memref<8x768xf32, #tpu.memory_space<vmem>>, vector<1x16xf32>,
      %mul3A_552 = arith.constant 4 : i32
      %mul3A_553 = arith.muli %scan3A_507, %mul3A_552 : i32
      %add3A_554 = arith.constant 2 : i32
      %add3A_555 = arith.addi %mul3A_553, %add3A_554 : i32
      %mul3A_556 = arith.constant 16 : i32
      %mul3A_557 = arith.muli %add3A_555, %mul3A_556 : i32
      %get3A_558 = arith.constant 5 : i32
      %get3A_559 = arith.index_cast %get3A_558 : i32 to index
      %get3A_560 = arith.index_cast %mul3A_557 : i32 to index
      %get3A_561 = tpu.vector_load %arg9[%get3A_559, %get3A_560] {strides = array<i32>} : memref<8x768xf32, #tpu.memory_space<vmem>>, vector<1x16xf32>,
      %get3A_562 = vector.shape_cast %get3A_561 : vector<1x16xf32> to vector<16xf32>
      %get3A_563 = arith.constant 5 : i32
      %get3A_564 = arith.index_cast %get3A_563 : i32 to index
      %get3A_565 = arith.index_cast %mul3A_557 : i32 to index
      %get3A_566 = tpu.vector_load %arg10[%get3A_564, %get3A_565] {strides = array<i32>} : memref<8x768xf32, #tpu.memory_space<vmem>>, vector<1x16xf32>,
      %get3A_567 = vector.shape_cast %get3A_566 : vector<1x16xf32> to vector<16xf32>
      %add3A_568 = arith.addf %get3A_562, %get3A_567 : vector<16xf32>
      %swap3A_569 = arith.constant 5 : i32
      %swap3A_570 = arith.index_cast %swap3A_569 : i32 to index
      %swap3A_571 = arith.index_cast %mul3A_557 : i32 to index
      %swap3A_572 = tpu.vector_load %arg9[%swap3A_570, %swap3A_571] {strides = array<i32>} : memref<8x768xf32, #tpu.memory_space<vmem>>, vector<1x16xf32>,
      %swap3A_573 = vector.shape_cast %swap3A_572 : vector<1x16xf32> to vector<16xf32>
      %swap3A_574 = vector.shape_cast %add3A_568 : vector<16xf32> to vector<1x16xf32>
      tpu.vector_store %arg9[%swap3A_570, %swap3A_571], %swap3A_574 {strides = array<i32>} : memref<8x768xf32, #tpu.memory_space<vmem>>, vector<1x16xf32>,
      %mul3A_575 = arith.constant 4 : i32
      %mul3A_576 = arith.muli %scan3A_507, %mul3A_575 : i32
      %add3A_577 = arith.constant 3 : i32
      %add3A_578 = arith.addi %mul3A_576, %add3A_577 : i32
      %mul3A_579 = arith.constant 16 : i32
      %mul3A_580 = arith.muli %add3A_578, %mul3A_579 : i32
      %get3A_581 = arith.constant 5 : i32
      %get3A_582 = arith.index_cast %get3A_581 : i32 to index
      %get3A_583 = arith.index_cast %mul3A_580 : i32 to index
      %get3A_584 = tpu.vector_load %arg9[%get3A_582, %get3A_583] {strides = array<i32>} : memref<8x768xf32, #tpu.memory_space<vmem>>, vector<1x16xf32>,
      %get3A_585 = vector.shape_cast %get3A_584 : vector<1x16xf32> to vector<16xf32>
      %get3A_586 = arith.constant 5 : i32
      %get3A_587 = arith.index_cast %get3A_586 : i32 to index
      %get3A_588 = arith.index_cast %mul3A_580 : i32 to index
      %get3A_589 = tpu.vector_load %arg10[%get3A_587, %get3A_588] {strides = array<i32>} : memref<8x768xf32, #tpu.memory_space<vmem>>, vector<1x16xf32>,
      %get3A_590 = vector.shape_cast %get3A_589 : vector<1x16xf32> to vector<16xf32>
      %add3A_591 = arith.addf %get3A_585, %get3A_590 : vector<16xf32>
      %swap3A_592 = arith.constant 5 : i32
      %swap3A_593 = arith.index_cast %swap3A_592 : i32 to index
      %swap3A_594 = arith.index_cast %mul3A_580 : i32 to index
      %swap3A_595 = tpu.vector_load %arg9[%swap3A_593, %swap3A_594] {strides = array<i32>} : memref<8x768xf32, #tpu.memory_space<vmem>>, vector<1x16xf32>,
      %swap3A_596 = vector.shape_cast %swap3A_595 : vector<1x16xf32> to vector<16xf32>
      %swap3A_597 = vector.shape_cast %add3A_591 : vector<16xf32> to vector<1x16xf32>
      tpu.vector_store %arg9[%swap3A_593, %swap3A_594], %swap3A_597 {strides = array<i32>} : memref<8x768xf32, #tpu.memory_space<vmem>>, vector<1x16xf32>,
    }
    %scan3A_49 = arith.constant 12 : i32
    %scan3A_50 = arith.constant 0 : i32
    %scan3A_51 = arith.constant 12 : i32
    %scan3A_52 = arith.addi %scan3A_50, %scan3A_51 : i32
    %scan3A_53 = arith.constant 1 : i32
    scf.for %scan3A_507 = %scan3A_50 to %scan3A_52 step %scan3A_53  : i32 {
      %mul3A_508 = arith.constant 4 : i32
      %mul3A_509 = arith.muli %scan3A_507, %mul3A_508 : i32
      %add3A_510 = arith.constant 0 : i32
      %add3A_511 = arith.addi %mul3A_509, %add3A_510 : i32
      %mul3A_512 = arith.constant 16 : i32
      %mul3A_513 = arith.muli %add3A_511, %mul3A_512 : i32
      %get3A = arith.constant 6 : i32
      %get3A_514 = arith.index_cast %get3A : i32 to index
      %get3A_515 = arith.index_cast %mul3A_513 : i32 to index
      %get3A_516 = tpu.vector_load %arg9[%get3A_514, %get3A_515] {strides = array<i32>} : memref<8x768xf32, #tpu.memory_space<vmem>>, vector<1x16xf32>,
      %get3A_517 = vector.shape_cast %get3A_516 : vector<1x16xf32> to vector<16xf32>
      %get3A_518 = arith.constant 6 : i32
      %get3A_519 = arith.index_cast %get3A_518 : i32 to index
      %get3A_520 = arith.index_cast %mul3A_513 : i32 to index
      %get3A_521 = tpu.vector_load %arg10[%get3A_519, %get3A_520] {strides = array<i32>} : memref<8x768xf32, #tpu.memory_space<vmem>>, vector<1x16xf32>,
      %get3A_522 = vector.shape_cast %get3A_521 : vector<1x16xf32> to vector<16xf32>
      %add3A_523 = arith.addf %get3A_517, %get3A_522 : vector<16xf32>
      %swap3A = arith.constant 6 : i32
      %swap3A_524 = arith.index_cast %swap3A : i32 to index
      %swap3A_525 = arith.index_cast %mul3A_513 : i32 to index
      %swap3A_526 = tpu.vector_load %arg9[%swap3A_524, %swap3A_525] {strides = array<i32>} : memref<8x768xf32, #tpu.memory_space<vmem>>, vector<1x16xf32>,
      %swap3A_527 = vector.shape_cast %swap3A_526 : vector<1x16xf32> to vector<16xf32>
      %swap3A_528 = vector.shape_cast %add3A_523 : vector<16xf32> to vector<1x16xf32>
      tpu.vector_store %arg9[%swap3A_524, %swap3A_525], %swap3A_528 {strides = array<i32>} : memref<8x768xf32, #tpu.memory_space<vmem>>, vector<1x16xf32>,
      %mul3A_529 = arith.constant 4 : i32
      %mul3A_530 = arith.muli %scan3A_507, %mul3A_529 : i32
      %add3A_531 = arith.constant 1 : i32
      %add3A_532 = arith.addi %mul3A_530, %add3A_531 : i32
      %mul3A_533 = arith.constant 16 : i32
      %mul3A_534 = arith.muli %add3A_532, %mul3A_533 : i32
      %get3A_535 = arith.constant 6 : i32
      %get3A_536 = arith.index_cast %get3A_535 : i32 to index
      %get3A_537 = arith.index_cast %mul3A_534 : i32 to index
      %get3A_538 = tpu.vector_load %arg9[%get3A_536, %get3A_537] {strides = array<i32>} : memref<8x768xf32, #tpu.memory_space<vmem>>, vector<1x16xf32>,
      %get3A_539 = vector.shape_cast %get3A_538 : vector<1x16xf32> to vector<16xf32>
      %get3A_540 = arith.constant 6 : i32
      %get3A_541 = arith.index_cast %get3A_540 : i32 to index
      %get3A_542 = arith.index_cast %mul3A_534 : i32 to index
      %get3A_543 = tpu.vector_load %arg10[%get3A_541, %get3A_542] {strides = array<i32>} : memref<8x768xf32, #tpu.memory_space<vmem>>, vector<1x16xf32>,
      %get3A_544 = vector.shape_cast %get3A_543 : vector<1x16xf32> to vector<16xf32>
      %add3A_545 = arith.addf %get3A_539, %get3A_544 : vector<16xf32>
      %swap3A_546 = arith.constant 6 : i32
      %swap3A_547 = arith.index_cast %swap3A_546 : i32 to index
      %swap3A_548 = arith.index_cast %mul3A_534 : i32 to index
      %swap3A_549 = tpu.vector_load %arg9[%swap3A_547, %swap3A_548] {strides = array<i32>} : memref<8x768xf32, #tpu.memory_space<vmem>>, vector<1x16xf32>,
      %swap3A_550 = vector.shape_cast %swap3A_549 : vector<1x16xf32> to vector<16xf32>
      %swap3A_551 = vector.shape_cast %add3A_545 : vector<16xf32> to vector<1x16xf32>
      tpu.vector_store %arg9[%swap3A_547, %swap3A_548], %swap3A_551 {strides = array<i32>} : memref<8x768xf32, #tpu.memory_space<vmem>>, vector<1x16xf32>,
      %mul3A_552 = arith.constant 4 : i32
      %mul3A_553 = arith.muli %scan3A_507, %mul3A_552 : i32
      %add3A_554 = arith.constant 2 : i32
      %add3A_555 = arith.addi %mul3A_553, %add3A_554 : i32
      %mul3A_556 = arith.constant 16 : i32
      %mul3A_557 = arith.muli %add3A_555, %mul3A_556 : i32
      %get3A_558 = arith.constant 6 : i32
      %get3A_559 = arith.index_cast %get3A_558 : i32 to index
      %get3A_560 = arith.index_cast %mul3A_557 : i32 to index
      %get3A_561 = tpu.vector_load %arg9[%get3A_559, %get3A_560] {strides = array<i32>} : memref<8x768xf32, #tpu.memory_space<vmem>>, vector<1x16xf32>,
      %get3A_562 = vector.shape_cast %get3A_561 : vector<1x16xf32> to vector<16xf32>
      %get3A_563 = arith.constant 6 : i32
      %get3A_564 = arith.index_cast %get3A_563 : i32 to index
      %get3A_565 = arith.index_cast %mul3A_557 : i32 to index
      %get3A_566 = tpu.vector_load %arg10[%get3A_564, %get3A_565] {strides = array<i32>} : memref<8x768xf32, #tpu.memory_space<vmem>>, vector<1x16xf32>,
      %get3A_567 = vector.shape_cast %get3A_566 : vector<1x16xf32> to vector<16xf32>
      %add3A_568 = arith.addf %get3A_562, %get3A_567 : vector<16xf32>
      %swap3A_569 = arith.constant 6 : i32
      %swap3A_570 = arith.index_cast %swap3A_569 : i32 to index
      %swap3A_571 = arith.index_cast %mul3A_557 : i32 to index
      %swap3A_572 = tpu.vector_load %arg9[%swap3A_570, %swap3A_571] {strides = array<i32>} : memref<8x768xf32, #tpu.memory_space<vmem>>, vector<1x16xf32>,
      %swap3A_573 = vector.shape_cast %swap3A_572 : vector<1x16xf32> to vector<16xf32>
      %swap3A_574 = vector.shape_cast %add3A_568 : vector<16xf32> to vector<1x16xf32>
      tpu.vector_store %arg9[%swap3A_570, %swap3A_571], %swap3A_574 {strides = array<i32>} : memref<8x768xf32, #tpu.memory_space<vmem>>, vector<1x16xf32>,
      %mul3A_575 = arith.constant 4 : i32
      %mul3A_576 = arith.muli %scan3A_507, %mul3A_575 : i32
      %add3A_577 = arith.constant 3 : i32
      %add3A_578 = arith.addi %mul3A_576, %add3A_577 : i32
      %mul3A_579 = arith.constant 16 : i32
      %mul3A_580 = arith.muli %add3A_578, %mul3A_579 : i32
      %get3A_581 = arith.constant 6 : i32
      %get3A_582 = arith.index_cast %get3A_581 : i32 to index
      %get3A_583 = arith.index_cast %mul3A_580 : i32 to index
      %get3A_584 = tpu.vector_load %arg9[%get3A_582, %get3A_583] {strides = array<i32>} : memref<8x768xf32, #tpu.memory_space<vmem>>, vector<1x16xf32>,
      %get3A_585 = vector.shape_cast %get3A_584 : vector<1x16xf32> to vector<16xf32>
      %get3A_586 = arith.constant 6 : i32
      %get3A_587 = arith.index_cast %get3A_586 : i32 to index
      %get3A_588 = arith.index_cast %mul3A_580 : i32 to index
      %get3A_589 = tpu.vector_load %arg10[%get3A_587, %get3A_588] {strides = array<i32>} : memref<8x768xf32, #tpu.memory_space<vmem>>, vector<1x16xf32>,
      %get3A_590 = vector.shape_cast %get3A_589 : vector<1x16xf32> to vector<16xf32>
      %add3A_591 = arith.addf %get3A_585, %get3A_590 : vector<16xf32>
      %swap3A_592 = arith.constant 6 : i32
      %swap3A_593 = arith.index_cast %swap3A_592 : i32 to index
      %swap3A_594 = arith.index_cast %mul3A_580 : i32 to index
      %swap3A_595 = tpu.vector_load %arg9[%swap3A_593, %swap3A_594] {strides = array<i32>} : memref<8x768xf32, #tpu.memory_space<vmem>>, vector<1x16xf32>,
      %swap3A_596 = vector.shape_cast %swap3A_595 : vector<1x16xf32> to vector<16xf32>
      %swap3A_597 = vector.shape_cast %add3A_591 : vector<16xf32> to vector<1x16xf32>
      tpu.vector_store %arg9[%swap3A_593, %swap3A_594], %swap3A_597 {strides = array<i32>} : memref<8x768xf32, #tpu.memory_space<vmem>>, vector<1x16xf32>,
    }
    %scan3A_54 = arith.constant 12 : i32
    %scan3A_55 = arith.constant 0 : i32
    %scan3A_56 = arith.constant 12 : i32
    %scan3A_57 = arith.addi %scan3A_55, %scan3A_56 : i32
    %scan3A_58 = arith.constant 1 : i32
    scf.for %scan3A_507 = %scan3A_55 to %scan3A_57 step %scan3A_58  : i32 {
      %mul3A_508 = arith.constant 4 : i32
      %mul3A_509 = arith.muli %scan3A_507, %mul3A_508 : i32
      %add3A_510 = arith.constant 0 : i32
      %add3A_511 = arith.addi %mul3A_509, %add3A_510 : i32
      %mul3A_512 = arith.constant 16 : i32
      %mul3A_513 = arith.muli %add3A_511, %mul3A_512 : i32
      %get3A = arith.constant 7 : i32
      %get3A_514 = arith.index_cast %get3A : i32 to index
      %get3A_515 = arith.index_cast %mul3A_513 : i32 to index
      %get3A_516 = tpu.vector_load %arg9[%get3A_514, %get3A_515] {strides = array<i32>} : memref<8x768xf32, #tpu.memory_space<vmem>>, vector<1x16xf32>,
      %get3A_517 = vector.shape_cast %get3A_516 : vector<1x16xf32> to vector<16xf32>
      %get3A_518 = arith.constant 7 : i32
      %get3A_519 = arith.index_cast %get3A_518 : i32 to index
      %get3A_520 = arith.index_cast %mul3A_513 : i32 to index
      %get3A_521 = tpu.vector_load %arg10[%get3A_519, %get3A_520] {strides = array<i32>} : memref<8x768xf32, #tpu.memory_space<vmem>>, vector<1x16xf32>,
      %get3A_522 = vector.shape_cast %get3A_521 : vector<1x16xf32> to vector<16xf32>
      %add3A_523 = arith.addf %get3A_517, %get3A_522 : vector<16xf32>
      %swap3A = arith.constant 7 : i32
      %swap3A_524 = arith.index_cast %swap3A : i32 to index
      %swap3A_525 = arith.index_cast %mul3A_513 : i32 to index
      %swap3A_526 = tpu.vector_load %arg9[%swap3A_524, %swap3A_525] {strides = array<i32>} : memref<8x768xf32, #tpu.memory_space<vmem>>, vector<1x16xf32>,
      %swap3A_527 = vector.shape_cast %swap3A_526 : vector<1x16xf32> to vector<16xf32>
      %swap3A_528 = vector.shape_cast %add3A_523 : vector<16xf32> to vector<1x16xf32>
      tpu.vector_store %arg9[%swap3A_524, %swap3A_525], %swap3A_528 {strides = array<i32>} : memref<8x768xf32, #tpu.memory_space<vmem>>, vector<1x16xf32>,
      %mul3A_529 = arith.constant 4 : i32
      %mul3A_530 = arith.muli %scan3A_507, %mul3A_529 : i32
      %add3A_531 = arith.constant 1 : i32
      %add3A_532 = arith.addi %mul3A_530, %add3A_531 : i32
      %mul3A_533 = arith.constant 16 : i32
      %mul3A_534 = arith.muli %add3A_532, %mul3A_533 : i32
      %get3A_535 = arith.constant 7 : i32
      %get3A_536 = arith.index_cast %get3A_535 : i32 to index
      %get3A_537 = arith.index_cast %mul3A_534 : i32 to index
      %get3A_538 = tpu.vector_load %arg9[%get3A_536, %get3A_537] {strides = array<i32>} : memref<8x768xf32, #tpu.memory_space<vmem>>, vector<1x16xf32>,
      %get3A_539 = vector.shape_cast %get3A_538 : vector<1x16xf32> to vector<16xf32>
      %get3A_540 = arith.constant 7 : i32
      %get3A_541 = arith.index_cast %get3A_540 : i32 to index
      %get3A_542 = arith.index_cast %mul3A_534 : i32 to index
      %get3A_543 = tpu.vector_load %arg10[%get3A_541, %get3A_542] {strides = array<i32>} : memref<8x768xf32, #tpu.memory_space<vmem>>, vector<1x16xf32>,
      %get3A_544 = vector.shape_cast %get3A_543 : vector<1x16xf32> to vector<16xf32>
      %add3A_545 = arith.addf %get3A_539, %get3A_544 : vector<16xf32>
      %swap3A_546 = arith.constant 7 : i32
      %swap3A_547 = arith.index_cast %swap3A_546 : i32 to index
      %swap3A_548 = arith.index_cast %mul3A_534 : i32 to index
      %swap3A_549 = tpu.vector_load %arg9[%swap3A_547, %swap3A_548] {strides = array<i32>} : memref<8x768xf32, #tpu.memory_space<vmem>>, vector<1x16xf32>,
      %swap3A_550 = vector.shape_cast %swap3A_549 : vector<1x16xf32> to vector<16xf32>
      %swap3A_551 = vector.shape_cast %add3A_545 : vector<16xf32> to vector<1x16xf32>
      tpu.vector_store %arg9[%swap3A_547, %swap3A_548], %swap3A_551 {strides = array<i32>} : memref<8x768xf32, #tpu.memory_space<vmem>>, vector<1x16xf32>,
      %mul3A_552 = arith.constant 4 : i32
      %mul3A_553 = arith.muli %scan3A_507, %mul3A_552 : i32
      %add3A_554 = arith.constant 2 : i32
      %add3A_555 = arith.addi %mul3A_553, %add3A_554 : i32
      %mul3A_556 = arith.constant 16 : i32
      %mul3A_557 = arith.muli %add3A_555, %mul3A_556 : i32
      %get3A_558 = arith.constant 7 : i32
      %get3A_559 = arith.index_cast %get3A_558 : i32 to index
      %get3A_560 = arith.index_cast %mul3A_557 : i32 to index
      %get3A_561 = tpu.vector_load %arg9[%get3A_559, %get3A_560] {strides = array<i32>} : memref<8x768xf32, #tpu.memory_space<vmem>>, vector<1x16xf32>,
      %get3A_562 = vector.shape_cast %get3A_561 : vector<1x16xf32> to vector<16xf32>
      %get3A_563 = arith.constant 7 : i32
      %get3A_564 = arith.index_cast %get3A_563 : i32 to index
      %get3A_565 = arith.index_cast %mul3A_557 : i32 to index
      %get3A_566 = tpu.vector_load %arg10[%get3A_564, %get3A_565] {strides = array<i32>} : memref<8x768xf32, #tpu.memory_space<vmem>>, vector<1x16xf32>,
      %get3A_567 = vector.shape_cast %get3A_566 : vector<1x16xf32> to vector<16xf32>
      %add3A_568 = arith.addf %get3A_562, %get3A_567 : vector<16xf32>
      %swap3A_569 = arith.constant 7 : i32
      %swap3A_570 = arith.index_cast %swap3A_569 : i32 to index
      %swap3A_571 = arith.index_cast %mul3A_557 : i32 to index
      %swap3A_572 = tpu.vector_load %arg9[%swap3A_570, %swap3A_571] {strides = array<i32>} : memref<8x768xf32, #tpu.memory_space<vmem>>, vector<1x16xf32>,
      %swap3A_573 = vector.shape_cast %swap3A_572 : vector<1x16xf32> to vector<16xf32>
      %swap3A_574 = vector.shape_cast %add3A_568 : vector<16xf32> to vector<1x16xf32>
      tpu.vector_store %arg9[%swap3A_570, %swap3A_571], %swap3A_574 {strides = array<i32>} : memref<8x768xf32, #tpu.memory_space<vmem>>, vector<1x16xf32>,
      %mul3A_575 = arith.constant 4 : i32
      %mul3A_576 = arith.muli %scan3A_507, %mul3A_575 : i32
      %add3A_577 = arith.constant 3 : i32
      %add3A_578 = arith.addi %mul3A_576, %add3A_577 : i32
      %mul3A_579 = arith.constant 16 : i32
      %mul3A_580 = arith.muli %add3A_578, %mul3A_579 : i32
      %get3A_581 = arith.constant 7 : i32
      %get3A_582 = arith.index_cast %get3A_581 : i32 to index
      %get3A_583 = arith.index_cast %mul3A_580 : i32 to index
      %get3A_584 = tpu.vector_load %arg9[%get3A_582, %get3A_583] {strides = array<i32>} : memref<8x768xf32, #tpu.memory_space<vmem>>, vector<1x16xf32>,
      %get3A_585 = vector.shape_cast %get3A_584 : vector<1x16xf32> to vector<16xf32>
      %get3A_586 = arith.constant 7 : i32
      %get3A_587 = arith.index_cast %get3A_586 : i32 to index
      %get3A_588 = arith.index_cast %mul3A_580 : i32 to index
      %get3A_589 = tpu.vector_load %arg10[%get3A_587, %get3A_588] {strides = array<i32>} : memref<8x768xf32, #tpu.memory_space<vmem>>, vector<1x16xf32>,
      %get3A_590 = vector.shape_cast %get3A_589 : vector<1x16xf32> to vector<16xf32>
      %add3A_591 = arith.addf %get3A_585, %get3A_590 : vector<16xf32>
      %swap3A_592 = arith.constant 7 : i32
      %swap3A_593 = arith.index_cast %swap3A_592 : i32 to index
      %swap3A_594 = arith.index_cast %mul3A_580 : i32 to index
      %swap3A_595 = tpu.vector_load %arg9[%swap3A_593, %swap3A_594] {strides = array<i32>} : memref<8x768xf32, #tpu.memory_space<vmem>>, vector<1x16xf32>,
      %swap3A_596 = vector.shape_cast %swap3A_595 : vector<1x16xf32> to vector<16xf32>
      %swap3A_597 = vector.shape_cast %add3A_591 : vector<16xf32> to vector<1x16xf32>
      tpu.vector_store %arg9[%swap3A_593, %swap3A_594], %swap3A_597 {strides = array<i32>} : memref<8x768xf32, #tpu.memory_space<vmem>>, vector<1x16xf32>,
    }
    %scan3A_59 = arith.constant 12 : i32
    %add3A = arith.constant 0 : i32
    %add3A_60 = arith.addi %mul3A_2, %add3A : i32
    %dma_start3A_61 = arith.constant 0 : i32
    %dma_start3A_62 = tpu.memref_slice %arg6[%add3A_60, %mul3A_0, %dma_start3A_61] : memref<64x128x768xf32, #tpu.memory_space<hbm>> -> memref<1x8x768xf32, #tpu.memory_space<hbm>>
    %dma_start3A_63 = tpu.memref_squeeze %dma_start3A_62 : memref<1x8x768xf32, #tpu.memory_space<hbm>> -> memref<8x768xf32, #tpu.memory_space<hbm>>
    %dma_start3A_64 = arith.constant 0 : i32
    %dma_start3A_65 = tpu.memref_slice %arg6[%add3A_60, %mul3A_0, %dma_start3A_64] : memref<64x128x768xf32, #tpu.memory_space<hbm>> -> memref<1x8x768xf32, #tpu.memory_space<hbm>>
    %dma_start3A_66 = tpu.memref_squeeze %dma_start3A_65 : memref<1x8x768xf32, #tpu.memory_space<hbm>> -> memref<8x768xf32, #tpu.memory_space<hbm>>
    tpu.enqueue_dma source(%arg9 : memref<8x768xf32, #tpu.memory_space<vmem>>) target(%dma_start3A_66 : memref<8x768xf32, #tpu.memory_space<hbm>>) target_semaphore(%arg12 : memref<!tpu.dma_semaphore, #tpu.memory_space<semaphore_mem>>)
    %add3A_67 = arith.constant 1 : i32
    %add3A_68 = arith.addi %mul3A_2, %add3A_67 : i32
    %dma_start3A_69 = arith.constant 0 : i32
    %dma_start3A_70 = tpu.memref_slice %arg6[%add3A_68, %mul3A_0, %dma_start3A_69] : memref<64x128x768xf32, #tpu.memory_space<hbm>> -> memref<1x8x768xf32, #tpu.memory_space<hbm>>
    %dma_start3A_71 = tpu.memref_squeeze %dma_start3A_70 : memref<1x8x768xf32, #tpu.memory_space<hbm>> -> memref<8x768xf32, #tpu.memory_space<hbm>>
    %dma_start3A_72 = arith.constant 0 : i32
    %dma_start3A_73 = tpu.memref_slice %arg6[%add3A_68, %mul3A_0, %dma_start3A_72] : memref<64x128x768xf32, #tpu.memory_space<hbm>> -> memref<1x8x768xf32, #tpu.memory_space<hbm>>
    %dma_start3A_74 = tpu.memref_squeeze %dma_start3A_73 : memref<1x8x768xf32, #tpu.memory_space<hbm>> -> memref<8x768xf32, #tpu.memory_space<hbm>>
    tpu.enqueue_dma source(%arg9 : memref<8x768xf32, #tpu.memory_space<vmem>>) target(%dma_start3A_74 : memref<8x768xf32, #tpu.memory_space<hbm>>) target_semaphore(%arg12 : memref<!tpu.dma_semaphore, #tpu.memory_space<semaphore_mem>>)
    %add3A_75 = arith.constant 2 : i32
    %add3A_76 = arith.addi %mul3A_2, %add3A_75 : i32
    %dma_start3A_77 = arith.constant 0 : i32
    %dma_start3A_78 = tpu.memref_slice %arg6[%add3A_76, %mul3A_0, %dma_start3A_77] : memref<64x128x768xf32, #tpu.memory_space<hbm>> -> memref<1x8x768xf32, #tpu.memory_space<hbm>>
    %dma_start3A_79 = tpu.memref_squeeze %dma_start3A_78 : memref<1x8x768xf32, #tpu.memory_space<hbm>> -> memref<8x768xf32, #tpu.memory_space<hbm>>
    %dma_start3A_80 = arith.constant 0 : i32
    %dma_start3A_81 = tpu.memref_slice %arg6[%add3A_76, %mul3A_0, %dma_start3A_80] : memref<64x128x768xf32, #tpu.memory_space<hbm>> -> memref<1x8x768xf32, #tpu.memory_space<hbm>>
    %dma_start3A_82 = tpu.memref_squeeze %dma_start3A_81 : memref<1x8x768xf32, #tpu.memory_space<hbm>> -> memref<8x768xf32, #tpu.memory_space<hbm>>
    tpu.enqueue_dma source(%arg9 : memref<8x768xf32, #tpu.memory_space<vmem>>) target(%dma_start3A_82 : memref<8x768xf32, #tpu.memory_space<hbm>>) target_semaphore(%arg12 : memref<!tpu.dma_semaphore, #tpu.memory_space<semaphore_mem>>)
    %add3A_83 = arith.constant 3 : i32
    %add3A_84 = arith.addi %mul3A_2, %add3A_83 : i32
    %dma_start3A_85 = arith.constant 0 : i32
    %dma_start3A_86 = tpu.memref_slice %arg6[%add3A_84, %mul3A_0, %dma_start3A_85] : memref<64x128x768xf32, #tpu.memory_space<hbm>> -> memref<1x8x768xf32, #tpu.memory_space<hbm>>
    %dma_start3A_87 = tpu.memref_squeeze %dma_start3A_86 : memref<1x8x768xf32, #tpu.memory_space<hbm>> -> memref<8x768xf32, #tpu.memory_space<hbm>>
    %dma_start3A_88 = arith.constant 0 : i32
    %dma_start3A_89 = tpu.memref_slice %arg6[%add3A_84, %mul3A_0, %dma_start3A_88] : memref<64x128x768xf32, #tpu.memory_space<hbm>> -> memref<1x8x768xf32, #tpu.memory_space<hbm>>
    %dma_start3A_90 = tpu.memref_squeeze %dma_start3A_89 : memref<1x8x768xf32, #tpu.memory_space<hbm>> -> memref<8x768xf32, #tpu.memory_space<hbm>>
    tpu.enqueue_dma source(%arg9 : memref<8x768xf32, #tpu.memory_space<vmem>>) target(%dma_start3A_90 : memref<8x768xf32, #tpu.memory_space<hbm>>) target_semaphore(%arg12 : memref<!tpu.dma_semaphore, #tpu.memory_space<semaphore_mem>>)
    %add3A_91 = arith.constant 4 : i32
    %add3A_92 = arith.addi %mul3A_2, %add3A_91 : i32
    %dma_start3A_93 = arith.constant 0 : i32
    %dma_start3A_94 = tpu.memref_slice %arg6[%add3A_92, %mul3A_0, %dma_start3A_93] : memref<64x128x768xf32, #tpu.memory_space<hbm>> -> memref<1x8x768xf32, #tpu.memory_space<hbm>>
    %dma_start3A_95 = tpu.memref_squeeze %dma_start3A_94 : memref<1x8x768xf32, #tpu.memory_space<hbm>> -> memref<8x768xf32, #tpu.memory_space<hbm>>
    %dma_start3A_96 = arith.constant 0 : i32
    %dma_start3A_97 = tpu.memref_slice %arg6[%add3A_92, %mul3A_0, %dma_start3A_96] : memref<64x128x768xf32, #tpu.memory_space<hbm>> -> memref<1x8x768xf32, #tpu.memory_space<hbm>>
    %dma_start3A_98 = tpu.memref_squeeze %dma_start3A_97 : memref<1x8x768xf32, #tpu.memory_space<hbm>> -> memref<8x768xf32, #tpu.memory_space<hbm>>
    tpu.enqueue_dma source(%arg9 : memref<8x768xf32, #tpu.memory_space<vmem>>) target(%dma_start3A_98 : memref<8x768xf32, #tpu.memory_space<hbm>>) target_semaphore(%arg12 : memref<!tpu.dma_semaphore, #tpu.memory_space<semaphore_mem>>)
    %add3A_99 = arith.constant 5 : i32
    %add3A_100 = arith.addi %mul3A_2, %add3A_99 : i32
    %dma_start3A_101 = arith.constant 0 : i32
    %dma_start3A_102 = tpu.memref_slice %arg6[%add3A_100, %mul3A_0, %dma_start3A_101] : memref<64x128x768xf32, #tpu.memory_space<hbm>> -> memref<1x8x768xf32, #tpu.memory_space<hbm>>
    %dma_start3A_103 = tpu.memref_squeeze %dma_start3A_102 : memref<1x8x768xf32, #tpu.memory_space<hbm>> -> memref<8x768xf32, #tpu.memory_space<hbm>>
    %dma_start3A_104 = arith.constant 0 : i32
    %dma_start3A_105 = tpu.memref_slice %arg6[%add3A_100, %mul3A_0, %dma_start3A_104] : memref<64x128x768xf32, #tpu.memory_space<hbm>> -> memref<1x8x768xf32, #tpu.memory_space<hbm>>
    %dma_start3A_106 = tpu.memref_squeeze %dma_start3A_105 : memref<1x8x768xf32, #tpu.memory_space<hbm>> -> memref<8x768xf32, #tpu.memory_space<hbm>>
    tpu.enqueue_dma source(%arg9 : memref<8x768xf32, #tpu.memory_space<vmem>>) target(%dma_start3A_106 : memref<8x768xf32, #tpu.memory_space<hbm>>) target_semaphore(%arg12 : memref<!tpu.dma_semaphore, #tpu.memory_space<semaphore_mem>>)
    %add3A_107 = arith.constant 6 : i32
    %add3A_108 = arith.addi %mul3A_2, %add3A_107 : i32
    %dma_start3A_109 = arith.constant 0 : i32
    %dma_start3A_110 = tpu.memref_slice %arg6[%add3A_108, %mul3A_0, %dma_start3A_109] : memref<64x128x768xf32, #tpu.memory_space<hbm>> -> memref<1x8x768xf32, #tpu.memory_space<hbm>>
    %dma_start3A_111 = tpu.memref_squeeze %dma_start3A_110 : memref<1x8x768xf32, #tpu.memory_space<hbm>> -> memref<8x768xf32, #tpu.memory_space<hbm>>
    %dma_start3A_112 = arith.constant 0 : i32
    %dma_start3A_113 = tpu.memref_slice %arg6[%add3A_108, %mul3A_0, %dma_start3A_112] : memref<64x128x768xf32, #tpu.memory_space<hbm>> -> memref<1x8x768xf32, #tpu.memory_space<hbm>>
    %dma_start3A_114 = tpu.memref_squeeze %dma_start3A_113 : memref<1x8x768xf32, #tpu.memory_space<hbm>> -> memref<8x768xf32, #tpu.memory_space<hbm>>
    tpu.enqueue_dma source(%arg9 : memref<8x768xf32, #tpu.memory_space<vmem>>) target(%dma_start3A_114 : memref<8x768xf32, #tpu.memory_space<hbm>>) target_semaphore(%arg12 : memref<!tpu.dma_semaphore, #tpu.memory_space<semaphore_mem>>)
    %add3A_115 = arith.constant 7 : i32
    %add3A_116 = arith.addi %mul3A_2, %add3A_115 : i32
    %dma_start3A_117 = arith.constant 0 : i32
    %dma_start3A_118 = tpu.memref_slice %arg6[%add3A_116, %mul3A_0, %dma_start3A_117] : memref<64x128x768xf32, #tpu.memory_space<hbm>> -> memref<1x8x768xf32, #tpu.memory_space<hbm>>
    %dma_start3A_119 = tpu.memref_squeeze %dma_start3A_118 : memref<1x8x768xf32, #tpu.memory_space<hbm>> -> memref<8x768xf32, #tpu.memory_space<hbm>>
    %dma_start3A_120 = arith.constant 0 : i32
    %dma_start3A_121 = tpu.memref_slice %arg6[%add3A_116, %mul3A_0, %dma_start3A_120] : memref<64x128x768xf32, #tpu.memory_space<hbm>> -> memref<1x8x768xf32, #tpu.memory_space<hbm>>
    %dma_start3A_122 = tpu.memref_squeeze %dma_start3A_121 : memref<1x8x768xf32, #tpu.memory_space<hbm>> -> memref<8x768xf32, #tpu.memory_space<hbm>>
    tpu.enqueue_dma source(%arg9 : memref<8x768xf32, #tpu.memory_space<vmem>>) target(%dma_start3A_122 : memref<8x768xf32, #tpu.memory_space<hbm>>) target_semaphore(%arg12 : memref<!tpu.dma_semaphore, #tpu.memory_space<semaphore_mem>>)
    %add3A_123 = arith.constant 8 : i32
    %add3A_124 = arith.addi %mul3A_2, %add3A_123 : i32
    %dma_start3A_125 = arith.constant 0 : i32
    %dma_start3A_126 = tpu.memref_slice %arg6[%add3A_124, %mul3A_0, %dma_start3A_125] : memref<64x128x768xf32, #tpu.memory_space<hbm>> -> memref<1x8x768xf32, #tpu.memory_space<hbm>>
    %dma_start3A_127 = tpu.memref_squeeze %dma_start3A_126 : memref<1x8x768xf32, #tpu.memory_space<hbm>> -> memref<8x768xf32, #tpu.memory_space<hbm>>
    %dma_start3A_128 = arith.constant 0 : i32
    %dma_start3A_129 = tpu.memref_slice %arg6[%add3A_124, %mul3A_0, %dma_start3A_128] : memref<64x128x768xf32, #tpu.memory_space<hbm>> -> memref<1x8x768xf32, #tpu.memory_space<hbm>>
    %dma_start3A_130 = tpu.memref_squeeze %dma_start3A_129 : memref<1x8x768xf32, #tpu.memory_space<hbm>> -> memref<8x768xf32, #tpu.memory_space<hbm>>
    tpu.enqueue_dma source(%arg9 : memref<8x768xf32, #tpu.memory_space<vmem>>) target(%dma_start3A_130 : memref<8x768xf32, #tpu.memory_space<hbm>>) target_semaphore(%arg12 : memref<!tpu.dma_semaphore, #tpu.memory_space<semaphore_mem>>)
    %add3A_131 = arith.constant 9 : i32
    %add3A_132 = arith.addi %mul3A_2, %add3A_131 : i32
    %dma_start3A_133 = arith.constant 0 : i32
    %dma_start3A_134 = tpu.memref_slice %arg6[%add3A_132, %mul3A_0, %dma_start3A_133] : memref<64x128x768xf32, #tpu.memory_space<hbm>> -> memref<1x8x768xf32, #tpu.memory_space<hbm>>
    %dma_start3A_135 = tpu.memref_squeeze %dma_start3A_134 : memref<1x8x768xf32, #tpu.memory_space<hbm>> -> memref<8x768xf32, #tpu.memory_space<hbm>>
    %dma_start3A_136 = arith.constant 0 : i32
    %dma_start3A_137 = tpu.memref_slice %arg6[%add3A_132, %mul3A_0, %dma_start3A_136] : memref<64x128x768xf32, #tpu.memory_space<hbm>> -> memref<1x8x768xf32, #tpu.memory_space<hbm>>
    %dma_start3A_138 = tpu.memref_squeeze %dma_start3A_137 : memref<1x8x768xf32, #tpu.memory_space<hbm>> -> memref<8x768xf32, #tpu.memory_space<hbm>>
    tpu.enqueue_dma source(%arg9 : memref<8x768xf32, #tpu.memory_space<vmem>>) target(%dma_start3A_138 : memref<8x768xf32, #tpu.memory_space<hbm>>) target_semaphore(%arg12 : memref<!tpu.dma_semaphore, #tpu.memory_space<semaphore_mem>>)
    %add3A_139 = arith.constant 10 : i32
    %add3A_140 = arith.addi %mul3A_2, %add3A_139 : i32
    %dma_start3A_141 = arith.constant 0 : i32
    %dma_start3A_142 = tpu.memref_slice %arg6[%add3A_140, %mul3A_0, %dma_start3A_141] : memref<64x128x768xf32, #tpu.memory_space<hbm>> -> memref<1x8x768xf32, #tpu.memory_space<hbm>>
    %dma_start3A_143 = tpu.memref_squeeze %dma_start3A_142 : memref<1x8x768xf32, #tpu.memory_space<hbm>> -> memref<8x768xf32, #tpu.memory_space<hbm>>
    %dma_start3A_144 = arith.constant 0 : i32
    %dma_start3A_145 = tpu.memref_slice %arg6[%add3A_140, %mul3A_0, %dma_start3A_144] : memref<64x128x768xf32, #tpu.memory_space<hbm>> -> memref<1x8x768xf32, #tpu.memory_space<hbm>>
    %dma_start3A_146 = tpu.memref_squeeze %dma_start3A_145 : memref<1x8x768xf32, #tpu.memory_space<hbm>> -> memref<8x768xf32, #tpu.memory_space<hbm>>
    tpu.enqueue_dma source(%arg9 : memref<8x768xf32, #tpu.memory_space<vmem>>) target(%dma_start3A_146 : memref<8x768xf32, #tpu.memory_space<hbm>>) target_semaphore(%arg12 : memref<!tpu.dma_semaphore, #tpu.memory_space<semaphore_mem>>)
    %add3A_147 = arith.constant 11 : i32
    %add3A_148 = arith.addi %mul3A_2, %add3A_147 : i32
    %dma_start3A_149 = arith.constant 0 : i32
    %dma_start3A_150 = tpu.memref_slice %arg6[%add3A_148, %mul3A_0, %dma_start3A_149] : memref<64x128x768xf32, #tpu.memory_space<hbm>> -> memref<1x8x768xf32, #tpu.memory_space<hbm>>
    %dma_start3A_151 = tpu.memref_squeeze %dma_start3A_150 : memref<1x8x768xf32, #tpu.memory_space<hbm>> -> memref<8x768xf32, #tpu.memory_space<hbm>>
    %dma_start3A_152 = arith.constant 0 : i32
    %dma_start3A_153 = tpu.memref_slice %arg6[%add3A_148, %mul3A_0, %dma_start3A_152] : memref<64x128x768xf32, #tpu.memory_space<hbm>> -> memref<1x8x768xf32, #tpu.memory_space<hbm>>
    %dma_start3A_154 = tpu.memref_squeeze %dma_start3A_153 : memref<1x8x768xf32, #tpu.memory_space<hbm>> -> memref<8x768xf32, #tpu.memory_space<hbm>>
    tpu.enqueue_dma source(%arg9 : memref<8x768xf32, #tpu.memory_space<vmem>>) target(%dma_start3A_154 : memref<8x768xf32, #tpu.memory_space<hbm>>) target_semaphore(%arg12 : memref<!tpu.dma_semaphore, #tpu.memory_space<semaphore_mem>>)
    %add3A_155 = arith.constant 12 : i32
    %add3A_156 = arith.addi %mul3A_2, %add3A_155 : i32
    %dma_start3A_157 = arith.constant 0 : i32
    %dma_start3A_158 = tpu.memref_slice %arg6[%add3A_156, %mul3A_0, %dma_start3A_157] : memref<64x128x768xf32, #tpu.memory_space<hbm>> -> memref<1x8x768xf32, #tpu.memory_space<hbm>>
    %dma_start3A_159 = tpu.memref_squeeze %dma_start3A_158 : memref<1x8x768xf32, #tpu.memory_space<hbm>> -> memref<8x768xf32, #tpu.memory_space<hbm>>
    %dma_start3A_160 = arith.constant 0 : i32
    %dma_start3A_161 = tpu.memref_slice %arg6[%add3A_156, %mul3A_0, %dma_start3A_160] : memref<64x128x768xf32, #tpu.memory_space<hbm>> -> memref<1x8x768xf32, #tpu.memory_space<hbm>>
    %dma_start3A_162 = tpu.memref_squeeze %dma_start3A_161 : memref<1x8x768xf32, #tpu.memory_space<hbm>> -> memref<8x768xf32, #tpu.memory_space<hbm>>
    tpu.enqueue_dma source(%arg9 : memref<8x768xf32, #tpu.memory_space<vmem>>) target(%dma_start3A_162 : memref<8x768xf32, #tpu.memory_space<hbm>>) target_semaphore(%arg12 : memref<!tpu.dma_semaphore, #tpu.memory_space<semaphore_mem>>)
    %add3A_163 = arith.constant 13 : i32
    %add3A_164 = arith.addi %mul3A_2, %add3A_163 : i32
    %dma_start3A_165 = arith.constant 0 : i32
    %dma_start3A_166 = tpu.memref_slice %arg6[%add3A_164, %mul3A_0, %dma_start3A_165] : memref<64x128x768xf32, #tpu.memory_space<hbm>> -> memref<1x8x768xf32, #tpu.memory_space<hbm>>
    %dma_start3A_167 = tpu.memref_squeeze %dma_start3A_166 : memref<1x8x768xf32, #tpu.memory_space<hbm>> -> memref<8x768xf32, #tpu.memory_space<hbm>>
    %dma_start3A_168 = arith.constant 0 : i32
    %dma_start3A_169 = tpu.memref_slice %arg6[%add3A_164, %mul3A_0, %dma_start3A_168] : memref<64x128x768xf32, #tpu.memory_space<hbm>> -> memref<1x8x768xf32, #tpu.memory_space<hbm>>
    %dma_start3A_170 = tpu.memref_squeeze %dma_start3A_169 : memref<1x8x768xf32, #tpu.memory_space<hbm>> -> memref<8x768xf32, #tpu.memory_space<hbm>>
    tpu.enqueue_dma source(%arg9 : memref<8x768xf32, #tpu.memory_space<vmem>>) target(%dma_start3A_170 : memref<8x768xf32, #tpu.memory_space<hbm>>) target_semaphore(%arg12 : memref<!tpu.dma_semaphore, #tpu.memory_space<semaphore_mem>>)
    %add3A_171 = arith.constant 14 : i32
    %add3A_172 = arith.addi %mul3A_2, %add3A_171 : i32
    %dma_start3A_173 = arith.constant 0 : i32
    %dma_start3A_174 = tpu.memref_slice %arg6[%add3A_172, %mul3A_0, %dma_start3A_173] : memref<64x128x768xf32, #tpu.memory_space<hbm>> -> memref<1x8x768xf32, #tpu.memory_space<hbm>>
    %dma_start3A_175 = tpu.memref_squeeze %dma_start3A_174 : memref<1x8x768xf32, #tpu.memory_space<hbm>> -> memref<8x768xf32, #tpu.memory_space<hbm>>
    %dma_start3A_176 = arith.constant 0 : i32
    %dma_start3A_177 = tpu.memref_slice %arg6[%add3A_172, %mul3A_0, %dma_start3A_176] : memref<64x128x768xf32, #tpu.memory_space<hbm>> -> memref<1x8x768xf32, #tpu.memory_space<hbm>>
    %dma_start3A_178 = tpu.memref_squeeze %dma_start3A_177 : memref<1x8x768xf32, #tpu.memory_space<hbm>> -> memref<8x768xf32, #tpu.memory_space<hbm>>
    tpu.enqueue_dma source(%arg9 : memref<8x768xf32, #tpu.memory_space<vmem>>) target(%dma_start3A_178 : memref<8x768xf32, #tpu.memory_space<hbm>>) target_semaphore(%arg12 : memref<!tpu.dma_semaphore, #tpu.memory_space<semaphore_mem>>)
    %add3A_179 = arith.constant 15 : i32
    %add3A_180 = arith.addi %mul3A_2, %add3A_179 : i32
    %dma_start3A_181 = arith.constant 0 : i32
    %dma_start3A_182 = tpu.memref_slice %arg6[%add3A_180, %mul3A_0, %dma_start3A_181] : memref<64x128x768xf32, #tpu.memory_space<hbm>> -> memref<1x8x768xf32, #tpu.memory_space<hbm>>
    %dma_start3A_183 = tpu.memref_squeeze %dma_start3A_182 : memref<1x8x768xf32, #tpu.memory_space<hbm>> -> memref<8x768xf32, #tpu.memory_space<hbm>>
    %dma_start3A_184 = arith.constant 0 : i32
    %dma_start3A_185 = tpu.memref_slice %arg6[%add3A_180, %mul3A_0, %dma_start3A_184] : memref<64x128x768xf32, #tpu.memory_space<hbm>> -> memref<1x8x768xf32, #tpu.memory_space<hbm>>
    %dma_start3A_186 = tpu.memref_squeeze %dma_start3A_185 : memref<1x8x768xf32, #tpu.memory_space<hbm>> -> memref<8x768xf32, #tpu.memory_space<hbm>>
    tpu.enqueue_dma source(%arg9 : memref<8x768xf32, #tpu.memory_space<vmem>>) target(%dma_start3A_186 : memref<8x768xf32, #tpu.memory_space<hbm>>) target_semaphore(%arg12 : memref<!tpu.dma_semaphore, #tpu.memory_space<semaphore_mem>>)
    %add3A_187 = arith.constant 16 : i32
    %add3A_188 = arith.addi %mul3A_2, %add3A_187 : i32
    %dma_start3A_189 = arith.constant 0 : i32
    %dma_start3A_190 = tpu.memref_slice %arg6[%add3A_188, %mul3A_0, %dma_start3A_189] : memref<64x128x768xf32, #tpu.memory_space<hbm>> -> memref<1x8x768xf32, #tpu.memory_space<hbm>>
    %dma_start3A_191 = tpu.memref_squeeze %dma_start3A_190 : memref<1x8x768xf32, #tpu.memory_space<hbm>> -> memref<8x768xf32, #tpu.memory_space<hbm>>
    %dma_start3A_192 = arith.constant 0 : i32
    %dma_start3A_193 = tpu.memref_slice %arg6[%add3A_188, %mul3A_0, %dma_start3A_192] : memref<64x128x768xf32, #tpu.memory_space<hbm>> -> memref<1x8x768xf32, #tpu.memory_space<hbm>>
    %dma_start3A_194 = tpu.memref_squeeze %dma_start3A_193 : memref<1x8x768xf32, #tpu.memory_space<hbm>> -> memref<8x768xf32, #tpu.memory_space<hbm>>
    tpu.enqueue_dma source(%arg9 : memref<8x768xf32, #tpu.memory_space<vmem>>) target(%dma_start3A_194 : memref<8x768xf32, #tpu.memory_space<hbm>>) target_semaphore(%arg12 : memref<!tpu.dma_semaphore, #tpu.memory_space<semaphore_mem>>)
    %add3A_195 = arith.constant 17 : i32
    %add3A_196 = arith.addi %mul3A_2, %add3A_195 : i32
    %dma_start3A_197 = arith.constant 0 : i32
    %dma_start3A_198 = tpu.memref_slice %arg6[%add3A_196, %mul3A_0, %dma_start3A_197] : memref<64x128x768xf32, #tpu.memory_space<hbm>> -> memref<1x8x768xf32, #tpu.memory_space<hbm>>
    %dma_start3A_199 = tpu.memref_squeeze %dma_start3A_198 : memref<1x8x768xf32, #tpu.memory_space<hbm>> -> memref<8x768xf32, #tpu.memory_space<hbm>>
    %dma_start3A_200 = arith.constant 0 : i32
    %dma_start3A_201 = tpu.memref_slice %arg6[%add3A_196, %mul3A_0, %dma_start3A_200] : memref<64x128x768xf32, #tpu.memory_space<hbm>> -> memref<1x8x768xf32, #tpu.memory_space<hbm>>
    %dma_start3A_202 = tpu.memref_squeeze %dma_start3A_201 : memref<1x8x768xf32, #tpu.memory_space<hbm>> -> memref<8x768xf32, #tpu.memory_space<hbm>>
    tpu.enqueue_dma source(%arg9 : memref<8x768xf32, #tpu.memory_space<vmem>>) target(%dma_start3A_202 : memref<8x768xf32, #tpu.memory_space<hbm>>) target_semaphore(%arg12 : memref<!tpu.dma_semaphore, #tpu.memory_space<semaphore_mem>>)
    %add3A_203 = arith.constant 18 : i32
    %add3A_204 = arith.addi %mul3A_2, %add3A_203 : i32
    %dma_start3A_205 = arith.constant 0 : i32
    %dma_start3A_206 = tpu.memref_slice %arg6[%add3A_204, %mul3A_0, %dma_start3A_205] : memref<64x128x768xf32, #tpu.memory_space<hbm>> -> memref<1x8x768xf32, #tpu.memory_space<hbm>>
    %dma_start3A_207 = tpu.memref_squeeze %dma_start3A_206 : memref<1x8x768xf32, #tpu.memory_space<hbm>> -> memref<8x768xf32, #tpu.memory_space<hbm>>
    %dma_start3A_208 = arith.constant 0 : i32
    %dma_start3A_209 = tpu.memref_slice %arg6[%add3A_204, %mul3A_0, %dma_start3A_208] : memref<64x128x768xf32, #tpu.memory_space<hbm>> -> memref<1x8x768xf32, #tpu.memory_space<hbm>>
    %dma_start3A_210 = tpu.memref_squeeze %dma_start3A_209 : memref<1x8x768xf32, #tpu.memory_space<hbm>> -> memref<8x768xf32, #tpu.memory_space<hbm>>
    tpu.enqueue_dma source(%arg9 : memref<8x768xf32, #tpu.memory_space<vmem>>) target(%dma_start3A_210 : memref<8x768xf32, #tpu.memory_space<hbm>>) target_semaphore(%arg12 : memref<!tpu.dma_semaphore, #tpu.memory_space<semaphore_mem>>)
    %add3A_211 = arith.constant 19 : i32
    %add3A_212 = arith.addi %mul3A_2, %add3A_211 : i32
    %dma_start3A_213 = arith.constant 0 : i32
    %dma_start3A_214 = tpu.memref_slice %arg6[%add3A_212, %mul3A_0, %dma_start3A_213] : memref<64x128x768xf32, #tpu.memory_space<hbm>> -> memref<1x8x768xf32, #tpu.memory_space<hbm>>
    %dma_start3A_215 = tpu.memref_squeeze %dma_start3A_214 : memref<1x8x768xf32, #tpu.memory_space<hbm>> -> memref<8x768xf32, #tpu.memory_space<hbm>>
    %dma_start3A_216 = arith.constant 0 : i32
    %dma_start3A_217 = tpu.memref_slice %arg6[%add3A_212, %mul3A_0, %dma_start3A_216] : memref<64x128x768xf32, #tpu.memory_space<hbm>> -> memref<1x8x768xf32, #tpu.memory_space<hbm>>
    %dma_start3A_218 = tpu.memref_squeeze %dma_start3A_217 : memref<1x8x768xf32, #tpu.memory_space<hbm>> -> memref<8x768xf32, #tpu.memory_space<hbm>>
    tpu.enqueue_dma source(%arg9 : memref<8x768xf32, #tpu.memory_space<vmem>>) target(%dma_start3A_218 : memref<8x768xf32, #tpu.memory_space<hbm>>) target_semaphore(%arg12 : memref<!tpu.dma_semaphore, #tpu.memory_space<semaphore_mem>>)
    %add3A_219 = arith.constant 20 : i32
    %add3A_220 = arith.addi %mul3A_2, %add3A_219 : i32
    %dma_start3A_221 = arith.constant 0 : i32
    %dma_start3A_222 = tpu.memref_slice %arg6[%add3A_220, %mul3A_0, %dma_start3A_221] : memref<64x128x768xf32, #tpu.memory_space<hbm>> -> memref<1x8x768xf32, #tpu.memory_space<hbm>>
    %dma_start3A_223 = tpu.memref_squeeze %dma_start3A_222 : memref<1x8x768xf32, #tpu.memory_space<hbm>> -> memref<8x768xf32, #tpu.memory_space<hbm>>
    %dma_start3A_224 = arith.constant 0 : i32
    %dma_start3A_225 = tpu.memref_slice %arg6[%add3A_220, %mul3A_0, %dma_start3A_224] : memref<64x128x768xf32, #tpu.memory_space<hbm>> -> memref<1x8x768xf32, #tpu.memory_space<hbm>>
    %dma_start3A_226 = tpu.memref_squeeze %dma_start3A_225 : memref<1x8x768xf32, #tpu.memory_space<hbm>> -> memref<8x768xf32, #tpu.memory_space<hbm>>
    tpu.enqueue_dma source(%arg9 : memref<8x768xf32, #tpu.memory_space<vmem>>) target(%dma_start3A_226 : memref<8x768xf32, #tpu.memory_space<hbm>>) target_semaphore(%arg12 : memref<!tpu.dma_semaphore, #tpu.memory_space<semaphore_mem>>)
    %add3A_227 = arith.constant 21 : i32
    %add3A_228 = arith.addi %mul3A_2, %add3A_227 : i32
    %dma_start3A_229 = arith.constant 0 : i32
    %dma_start3A_230 = tpu.memref_slice %arg6[%add3A_228, %mul3A_0, %dma_start3A_229] : memref<64x128x768xf32, #tpu.memory_space<hbm>> -> memref<1x8x768xf32, #tpu.memory_space<hbm>>
    %dma_start3A_231 = tpu.memref_squeeze %dma_start3A_230 : memref<1x8x768xf32, #tpu.memory_space<hbm>> -> memref<8x768xf32, #tpu.memory_space<hbm>>
    %dma_start3A_232 = arith.constant 0 : i32
    %dma_start3A_233 = tpu.memref_slice %arg6[%add3A_228, %mul3A_0, %dma_start3A_232] : memref<64x128x768xf32, #tpu.memory_space<hbm>> -> memref<1x8x768xf32, #tpu.memory_space<hbm>>
    %dma_start3A_234 = tpu.memref_squeeze %dma_start3A_233 : memref<1x8x768xf32, #tpu.memory_space<hbm>> -> memref<8x768xf32, #tpu.memory_space<hbm>>
    tpu.enqueue_dma source(%arg9 : memref<8x768xf32, #tpu.memory_space<vmem>>) target(%dma_start3A_234 : memref<8x768xf32, #tpu.memory_space<hbm>>) target_semaphore(%arg12 : memref<!tpu.dma_semaphore, #tpu.memory_space<semaphore_mem>>)
    %add3A_235 = arith.constant 22 : i32
    %add3A_236 = arith.addi %mul3A_2, %add3A_235 : i32
    %dma_start3A_237 = arith.constant 0 : i32
    %dma_start3A_238 = tpu.memref_slice %arg6[%add3A_236, %mul3A_0, %dma_start3A_237] : memref<64x128x768xf32, #tpu.memory_space<hbm>> -> memref<1x8x768xf32, #tpu.memory_space<hbm>>
    %dma_start3A_239 = tpu.memref_squeeze %dma_start3A_238 : memref<1x8x768xf32, #tpu.memory_space<hbm>> -> memref<8x768xf32, #tpu.memory_space<hbm>>
    %dma_start3A_240 = arith.constant 0 : i32
    %dma_start3A_241 = tpu.memref_slice %arg6[%add3A_236, %mul3A_0, %dma_start3A_240] : memref<64x128x768xf32, #tpu.memory_space<hbm>> -> memref<1x8x768xf32, #tpu.memory_space<hbm>>
    %dma_start3A_242 = tpu.memref_squeeze %dma_start3A_241 : memref<1x8x768xf32, #tpu.memory_space<hbm>> -> memref<8x768xf32, #tpu.memory_space<hbm>>
    tpu.enqueue_dma source(%arg9 : memref<8x768xf32, #tpu.memory_space<vmem>>) target(%dma_start3A_242 : memref<8x768xf32, #tpu.memory_space<hbm>>) target_semaphore(%arg12 : memref<!tpu.dma_semaphore, #tpu.memory_space<semaphore_mem>>)
    %add3A_243 = arith.constant 23 : i32
    %add3A_244 = arith.addi %mul3A_2, %add3A_243 : i32
    %dma_start3A_245 = arith.constant 0 : i32
    %dma_start3A_246 = tpu.memref_slice %arg6[%add3A_244, %mul3A_0, %dma_start3A_245] : memref<64x128x768xf32, #tpu.memory_space<hbm>> -> memref<1x8x768xf32, #tpu.memory_space<hbm>>
    %dma_start3A_247 = tpu.memref_squeeze %dma_start3A_246 : memref<1x8x768xf32, #tpu.memory_space<hbm>> -> memref<8x768xf32, #tpu.memory_space<hbm>>
    %dma_start3A_248 = arith.constant 0 : i32
    %dma_start3A_249 = tpu.memref_slice %arg6[%add3A_244, %mul3A_0, %dma_start3A_248] : memref<64x128x768xf32, #tpu.memory_space<hbm>> -> memref<1x8x768xf32, #tpu.memory_space<hbm>>
    %dma_start3A_250 = tpu.memref_squeeze %dma_start3A_249 : memref<1x8x768xf32, #tpu.memory_space<hbm>> -> memref<8x768xf32, #tpu.memory_space<hbm>>
    tpu.enqueue_dma source(%arg9 : memref<8x768xf32, #tpu.memory_space<vmem>>) target(%dma_start3A_250 : memref<8x768xf32, #tpu.memory_space<hbm>>) target_semaphore(%arg12 : memref<!tpu.dma_semaphore, #tpu.memory_space<semaphore_mem>>)
    %add3A_251 = arith.constant 24 : i32
    %add3A_252 = arith.addi %mul3A_2, %add3A_251 : i32
    %dma_start3A_253 = arith.constant 0 : i32
    %dma_start3A_254 = tpu.memref_slice %arg6[%add3A_252, %mul3A_0, %dma_start3A_253] : memref<64x128x768xf32, #tpu.memory_space<hbm>> -> memref<1x8x768xf32, #tpu.memory_space<hbm>>
    %dma_start3A_255 = tpu.memref_squeeze %dma_start3A_254 : memref<1x8x768xf32, #tpu.memory_space<hbm>> -> memref<8x768xf32, #tpu.memory_space<hbm>>
    %dma_start3A_256 = arith.constant 0 : i32
    %dma_start3A_257 = tpu.memref_slice %arg6[%add3A_252, %mul3A_0, %dma_start3A_256] : memref<64x128x768xf32, #tpu.memory_space<hbm>> -> memref<1x8x768xf32, #tpu.memory_space<hbm>>
    %dma_start3A_258 = tpu.memref_squeeze %dma_start3A_257 : memref<1x8x768xf32, #tpu.memory_space<hbm>> -> memref<8x768xf32, #tpu.memory_space<hbm>>
    tpu.enqueue_dma source(%arg9 : memref<8x768xf32, #tpu.memory_space<vmem>>) target(%dma_start3A_258 : memref<8x768xf32, #tpu.memory_space<hbm>>) target_semaphore(%arg12 : memref<!tpu.dma_semaphore, #tpu.memory_space<semaphore_mem>>)
    %add3A_259 = arith.constant 25 : i32
    %add3A_260 = arith.addi %mul3A_2, %add3A_259 : i32
    %dma_start3A_261 = arith.constant 0 : i32
    %dma_start3A_262 = tpu.memref_slice %arg6[%add3A_260, %mul3A_0, %dma_start3A_261] : memref<64x128x768xf32, #tpu.memory_space<hbm>> -> memref<1x8x768xf32, #tpu.memory_space<hbm>>
    %dma_start3A_263 = tpu.memref_squeeze %dma_start3A_262 : memref<1x8x768xf32, #tpu.memory_space<hbm>> -> memref<8x768xf32, #tpu.memory_space<hbm>>
    %dma_start3A_264 = arith.constant 0 : i32
    %dma_start3A_265 = tpu.memref_slice %arg6[%add3A_260, %mul3A_0, %dma_start3A_264] : memref<64x128x768xf32, #tpu.memory_space<hbm>> -> memref<1x8x768xf32, #tpu.memory_space<hbm>>
    %dma_start3A_266 = tpu.memref_squeeze %dma_start3A_265 : memref<1x8x768xf32, #tpu.memory_space<hbm>> -> memref<8x768xf32, #tpu.memory_space<hbm>>
    tpu.enqueue_dma source(%arg9 : memref<8x768xf32, #tpu.memory_space<vmem>>) target(%dma_start3A_266 : memref<8x768xf32, #tpu.memory_space<hbm>>) target_semaphore(%arg12 : memref<!tpu.dma_semaphore, #tpu.memory_space<semaphore_mem>>)
    %add3A_267 = arith.constant 26 : i32
    %add3A_268 = arith.addi %mul3A_2, %add3A_267 : i32
    %dma_start3A_269 = arith.constant 0 : i32
    %dma_start3A_270 = tpu.memref_slice %arg6[%add3A_268, %mul3A_0, %dma_start3A_269] : memref<64x128x768xf32, #tpu.memory_space<hbm>> -> memref<1x8x768xf32, #tpu.memory_space<hbm>>
    %dma_start3A_271 = tpu.memref_squeeze %dma_start3A_270 : memref<1x8x768xf32, #tpu.memory_space<hbm>> -> memref<8x768xf32, #tpu.memory_space<hbm>>
    %dma_start3A_272 = arith.constant 0 : i32
    %dma_start3A_273 = tpu.memref_slice %arg6[%add3A_268, %mul3A_0, %dma_start3A_272] : memref<64x128x768xf32, #tpu.memory_space<hbm>> -> memref<1x8x768xf32, #tpu.memory_space<hbm>>
    %dma_start3A_274 = tpu.memref_squeeze %dma_start3A_273 : memref<1x8x768xf32, #tpu.memory_space<hbm>> -> memref<8x768xf32, #tpu.memory_space<hbm>>
    tpu.enqueue_dma source(%arg9 : memref<8x768xf32, #tpu.memory_space<vmem>>) target(%dma_start3A_274 : memref<8x768xf32, #tpu.memory_space<hbm>>) target_semaphore(%arg12 : memref<!tpu.dma_semaphore, #tpu.memory_space<semaphore_mem>>)
    %add3A_275 = arith.constant 27 : i32
    %add3A_276 = arith.addi %mul3A_2, %add3A_275 : i32
    %dma_start3A_277 = arith.constant 0 : i32
    %dma_start3A_278 = tpu.memref_slice %arg6[%add3A_276, %mul3A_0, %dma_start3A_277] : memref<64x128x768xf32, #tpu.memory_space<hbm>> -> memref<1x8x768xf32, #tpu.memory_space<hbm>>
    %dma_start3A_279 = tpu.memref_squeeze %dma_start3A_278 : memref<1x8x768xf32, #tpu.memory_space<hbm>> -> memref<8x768xf32, #tpu.memory_space<hbm>>
    %dma_start3A_280 = arith.constant 0 : i32
    %dma_start3A_281 = tpu.memref_slice %arg6[%add3A_276, %mul3A_0, %dma_start3A_280] : memref<64x128x768xf32, #tpu.memory_space<hbm>> -> memref<1x8x768xf32, #tpu.memory_space<hbm>>
    %dma_start3A_282 = tpu.memref_squeeze %dma_start3A_281 : memref<1x8x768xf32, #tpu.memory_space<hbm>> -> memref<8x768xf32, #tpu.memory_space<hbm>>
    tpu.enqueue_dma source(%arg9 : memref<8x768xf32, #tpu.memory_space<vmem>>) target(%dma_start3A_282 : memref<8x768xf32, #tpu.memory_space<hbm>>) target_semaphore(%arg12 : memref<!tpu.dma_semaphore, #tpu.memory_space<semaphore_mem>>)
    %add3A_283 = arith.constant 28 : i32
    %add3A_284 = arith.addi %mul3A_2, %add3A_283 : i32
    %dma_start3A_285 = arith.constant 0 : i32
    %dma_start3A_286 = tpu.memref_slice %arg6[%add3A_284, %mul3A_0, %dma_start3A_285] : memref<64x128x768xf32, #tpu.memory_space<hbm>> -> memref<1x8x768xf32, #tpu.memory_space<hbm>>
    %dma_start3A_287 = tpu.memref_squeeze %dma_start3A_286 : memref<1x8x768xf32, #tpu.memory_space<hbm>> -> memref<8x768xf32, #tpu.memory_space<hbm>>
    %dma_start3A_288 = arith.constant 0 : i32
    %dma_start3A_289 = tpu.memref_slice %arg6[%add3A_284, %mul3A_0, %dma_start3A_288] : memref<64x128x768xf32, #tpu.memory_space<hbm>> -> memref<1x8x768xf32, #tpu.memory_space<hbm>>
    %dma_start3A_290 = tpu.memref_squeeze %dma_start3A_289 : memref<1x8x768xf32, #tpu.memory_space<hbm>> -> memref<8x768xf32, #tpu.memory_space<hbm>>
    tpu.enqueue_dma source(%arg9 : memref<8x768xf32, #tpu.memory_space<vmem>>) target(%dma_start3A_290 : memref<8x768xf32, #tpu.memory_space<hbm>>) target_semaphore(%arg12 : memref<!tpu.dma_semaphore, #tpu.memory_space<semaphore_mem>>)
    %add3A_291 = arith.constant 29 : i32
    %add3A_292 = arith.addi %mul3A_2, %add3A_291 : i32
    %dma_start3A_293 = arith.constant 0 : i32
    %dma_start3A_294 = tpu.memref_slice %arg6[%add3A_292, %mul3A_0, %dma_start3A_293] : memref<64x128x768xf32, #tpu.memory_space<hbm>> -> memref<1x8x768xf32, #tpu.memory_space<hbm>>
    %dma_start3A_295 = tpu.memref_squeeze %dma_start3A_294 : memref<1x8x768xf32, #tpu.memory_space<hbm>> -> memref<8x768xf32, #tpu.memory_space<hbm>>
    %dma_start3A_296 = arith.constant 0 : i32
    %dma_start3A_297 = tpu.memref_slice %arg6[%add3A_292, %mul3A_0, %dma_start3A_296] : memref<64x128x768xf32, #tpu.memory_space<hbm>> -> memref<1x8x768xf32, #tpu.memory_space<hbm>>
    %dma_start3A_298 = tpu.memref_squeeze %dma_start3A_297 : memref<1x8x768xf32, #tpu.memory_space<hbm>> -> memref<8x768xf32, #tpu.memory_space<hbm>>
    tpu.enqueue_dma source(%arg9 : memref<8x768xf32, #tpu.memory_space<vmem>>) target(%dma_start3A_298 : memref<8x768xf32, #tpu.memory_space<hbm>>) target_semaphore(%arg12 : memref<!tpu.dma_semaphore, #tpu.memory_space<semaphore_mem>>)
    %add3A_299 = arith.constant 30 : i32
    %add3A_300 = arith.addi %mul3A_2, %add3A_299 : i32
    %dma_start3A_301 = arith.constant 0 : i32
    %dma_start3A_302 = tpu.memref_slice %arg6[%add3A_300, %mul3A_0, %dma_start3A_301] : memref<64x128x768xf32, #tpu.memory_space<hbm>> -> memref<1x8x768xf32, #tpu.memory_space<hbm>>
    %dma_start3A_303 = tpu.memref_squeeze %dma_start3A_302 : memref<1x8x768xf32, #tpu.memory_space<hbm>> -> memref<8x768xf32, #tpu.memory_space<hbm>>
    %dma_start3A_304 = arith.constant 0 : i32
    %dma_start3A_305 = tpu.memref_slice %arg6[%add3A_300, %mul3A_0, %dma_start3A_304] : memref<64x128x768xf32, #tpu.memory_space<hbm>> -> memref<1x8x768xf32, #tpu.memory_space<hbm>>
    %dma_start3A_306 = tpu.memref_squeeze %dma_start3A_305 : memref<1x8x768xf32, #tpu.memory_space<hbm>> -> memref<8x768xf32, #tpu.memory_space<hbm>>
    tpu.enqueue_dma source(%arg9 : memref<8x768xf32, #tpu.memory_space<vmem>>) target(%dma_start3A_306 : memref<8x768xf32, #tpu.memory_space<hbm>>) target_semaphore(%arg12 : memref<!tpu.dma_semaphore, #tpu.memory_space<semaphore_mem>>)
    %add3A_307 = arith.constant 31 : i32
    %add3A_308 = arith.addi %mul3A_2, %add3A_307 : i32
    %dma_start3A_309 = arith.constant 0 : i32
    %dma_start3A_310 = tpu.memref_slice %arg6[%add3A_308, %mul3A_0, %dma_start3A_309] : memref<64x128x768xf32, #tpu.memory_space<hbm>> -> memref<1x8x768xf32, #tpu.memory_space<hbm>>
    %dma_start3A_311 = tpu.memref_squeeze %dma_start3A_310 : memref<1x8x768xf32, #tpu.memory_space<hbm>> -> memref<8x768xf32, #tpu.memory_space<hbm>>
    %dma_start3A_312 = arith.constant 0 : i32
    %dma_start3A_313 = tpu.memref_slice %arg6[%add3A_308, %mul3A_0, %dma_start3A_312] : memref<64x128x768xf32, #tpu.memory_space<hbm>> -> memref<1x8x768xf32, #tpu.memory_space<hbm>>
    %dma_start3A_314 = tpu.memref_squeeze %dma_start3A_313 : memref<1x8x768xf32, #tpu.memory_space<hbm>> -> memref<8x768xf32, #tpu.memory_space<hbm>>
    tpu.enqueue_dma source(%arg9 : memref<8x768xf32, #tpu.memory_space<vmem>>) target(%dma_start3A_314 : memref<8x768xf32, #tpu.memory_space<hbm>>) target_semaphore(%arg12 : memref<!tpu.dma_semaphore, #tpu.memory_space<semaphore_mem>>)
    %dma_wait3A_315 = arith.constant 0 : i32
    %dma_wait3A_316 = tpu.memref_slice %arg6[%add3A_60, %mul3A_0, %dma_wait3A_315] : memref<64x128x768xf32, #tpu.memory_space<hbm>> -> memref<1x8x768xf32, #tpu.memory_space<hbm>>
    %dma_wait3A_317 = tpu.memref_squeeze %dma_wait3A_316 : memref<1x8x768xf32, #tpu.memory_space<hbm>> -> memref<8x768xf32, #tpu.memory_space<hbm>>
    %dma_wait3A_318 = arith.constant 0 : i32
    %dma_wait3A_319 = tpu.memref_slice %arg6[%add3A_60, %mul3A_0, %dma_wait3A_318] : memref<64x128x768xf32, #tpu.memory_space<hbm>> -> memref<1x8x768xf32, #tpu.memory_space<hbm>>
    %dma_wait3A_320 = tpu.memref_squeeze %dma_wait3A_319 : memref<1x8x768xf32, #tpu.memory_space<hbm>> -> memref<8x768xf32, #tpu.memory_space<hbm>>
    tpu.wait_dma2 semaphore(%arg12 : memref<!tpu.dma_semaphore, #tpu.memory_space<semaphore_mem>>) src(%arg9 : memref<8x768xf32, #tpu.memory_space<vmem>>) dst(%dma_wait3A_320 : memref<8x768xf32, #tpu.memory_space<hbm>>)
    %dma_wait3A_321 = arith.constant 0 : i32
    %dma_wait3A_322 = tpu.memref_slice %arg6[%add3A_68, %mul3A_0, %dma_wait3A_321] : memref<64x128x768xf32, #tpu.memory_space<hbm>> -> memref<1x8x768xf32, #tpu.memory_space<hbm>>
    %dma_wait3A_323 = tpu.memref_squeeze %dma_wait3A_322 : memref<1x8x768xf32, #tpu.memory_space<hbm>> -> memref<8x768xf32, #tpu.memory_space<hbm>>
    %dma_wait3A_324 = arith.constant 0 : i32
    %dma_wait3A_325 = tpu.memref_slice %arg6[%add3A_68, %mul3A_0, %dma_wait3A_324] : memref<64x128x768xf32, #tpu.memory_space<hbm>> -> memref<1x8x768xf32, #tpu.memory_space<hbm>>
    %dma_wait3A_326 = tpu.memref_squeeze %dma_wait3A_325 : memref<1x8x768xf32, #tpu.memory_space<hbm>> -> memref<8x768xf32, #tpu.memory_space<hbm>>
    tpu.wait_dma2 semaphore(%arg12 : memref<!tpu.dma_semaphore, #tpu.memory_space<semaphore_mem>>) src(%arg9 : memref<8x768xf32, #tpu.memory_space<vmem>>) dst(%dma_wait3A_326 : memref<8x768xf32, #tpu.memory_space<hbm>>)
    %dma_wait3A_327 = arith.constant 0 : i32
    %dma_wait3A_328 = tpu.memref_slice %arg6[%add3A_76, %mul3A_0, %dma_wait3A_327] : memref<64x128x768xf32, #tpu.memory_space<hbm>> -> memref<1x8x768xf32, #tpu.memory_space<hbm>>
    %dma_wait3A_329 = tpu.memref_squeeze %dma_wait3A_328 : memref<1x8x768xf32, #tpu.memory_space<hbm>> -> memref<8x768xf32, #tpu.memory_space<hbm>>
    %dma_wait3A_330 = arith.constant 0 : i32
    %dma_wait3A_331 = tpu.memref_slice %arg6[%add3A_76, %mul3A_0, %dma_wait3A_330] : memref<64x128x768xf32, #tpu.memory_space<hbm>> -> memref<1x8x768xf32, #tpu.memory_space<hbm>>
    %dma_wait3A_332 = tpu.memref_squeeze %dma_wait3A_331 : memref<1x8x768xf32, #tpu.memory_space<hbm>> -> memref<8x768xf32, #tpu.memory_space<hbm>>
    tpu.wait_dma2 semaphore(%arg12 : memref<!tpu.dma_semaphore, #tpu.memory_space<semaphore_mem>>) src(%arg9 : memref<8x768xf32, #tpu.memory_space<vmem>>) dst(%dma_wait3A_332 : memref<8x768xf32, #tpu.memory_space<hbm>>)
    %dma_wait3A_333 = arith.constant 0 : i32
    %dma_wait3A_334 = tpu.memref_slice %arg6[%add3A_84, %mul3A_0, %dma_wait3A_333] : memref<64x128x768xf32, #tpu.memory_space<hbm>> -> memref<1x8x768xf32, #tpu.memory_space<hbm>>
    %dma_wait3A_335 = tpu.memref_squeeze %dma_wait3A_334 : memref<1x8x768xf32, #tpu.memory_space<hbm>> -> memref<8x768xf32, #tpu.memory_space<hbm>>
    %dma_wait3A_336 = arith.constant 0 : i32
    %dma_wait3A_337 = tpu.memref_slice %arg6[%add3A_84, %mul3A_0, %dma_wait3A_336] : memref<64x128x768xf32, #tpu.memory_space<hbm>> -> memref<1x8x768xf32, #tpu.memory_space<hbm>>
    %dma_wait3A_338 = tpu.memref_squeeze %dma_wait3A_337 : memref<1x8x768xf32, #tpu.memory_space<hbm>> -> memref<8x768xf32, #tpu.memory_space<hbm>>
    tpu.wait_dma2 semaphore(%arg12 : memref<!tpu.dma_semaphore, #tpu.memory_space<semaphore_mem>>) src(%arg9 : memref<8x768xf32, #tpu.memory_space<vmem>>) dst(%dma_wait3A_338 : memref<8x768xf32, #tpu.memory_space<hbm>>)
    %dma_wait3A_339 = arith.constant 0 : i32
    %dma_wait3A_340 = tpu.memref_slice %arg6[%add3A_92, %mul3A_0, %dma_wait3A_339] : memref<64x128x768xf32, #tpu.memory_space<hbm>> -> memref<1x8x768xf32, #tpu.memory_space<hbm>>
    %dma_wait3A_341 = tpu.memref_squeeze %dma_wait3A_340 : memref<1x8x768xf32, #tpu.memory_space<hbm>> -> memref<8x768xf32, #tpu.memory_space<hbm>>
    %dma_wait3A_342 = arith.constant 0 : i32
    %dma_wait3A_343 = tpu.memref_slice %arg6[%add3A_92, %mul3A_0, %dma_wait3A_342] : memref<64x128x768xf32, #tpu.memory_space<hbm>> -> memref<1x8x768xf32, #tpu.memory_space<hbm>>
    %dma_wait3A_344 = tpu.memref_squeeze %dma_wait3A_343 : memref<1x8x768xf32, #tpu.memory_space<hbm>> -> memref<8x768xf32, #tpu.memory_space<hbm>>
    tpu.wait_dma2 semaphore(%arg12 : memref<!tpu.dma_semaphore, #tpu.memory_space<semaphore_mem>>) src(%arg9 : memref<8x768xf32, #tpu.memory_space<vmem>>) dst(%dma_wait3A_344 : memref<8x768xf32, #tpu.memory_space<hbm>>)
    %dma_wait3A_345 = arith.constant 0 : i32
    %dma_wait3A_346 = tpu.memref_slice %arg6[%add3A_100, %mul3A_0, %dma_wait3A_345] : memref<64x128x768xf32, #tpu.memory_space<hbm>> -> memref<1x8x768xf32, #tpu.memory_space<hbm>>
    %dma_wait3A_347 = tpu.memref_squeeze %dma_wait3A_346 : memref<1x8x768xf32, #tpu.memory_space<hbm>> -> memref<8x768xf32, #tpu.memory_space<hbm>>
    %dma_wait3A_348 = arith.constant 0 : i32
    %dma_wait3A_349 = tpu.memref_slice %arg6[%add3A_100, %mul3A_0, %dma_wait3A_348] : memref<64x128x768xf32, #tpu.memory_space<hbm>> -> memref<1x8x768xf32, #tpu.memory_space<hbm>>
    %dma_wait3A_350 = tpu.memref_squeeze %dma_wait3A_349 : memref<1x8x768xf32, #tpu.memory_space<hbm>> -> memref<8x768xf32, #tpu.memory_space<hbm>>
    tpu.wait_dma2 semaphore(%arg12 : memref<!tpu.dma_semaphore, #tpu.memory_space<semaphore_mem>>) src(%arg9 : memref<8x768xf32, #tpu.memory_space<vmem>>) dst(%dma_wait3A_350 : memref<8x768xf32, #tpu.memory_space<hbm>>)
    %dma_wait3A_351 = arith.constant 0 : i32
    %dma_wait3A_352 = tpu.memref_slice %arg6[%add3A_108, %mul3A_0, %dma_wait3A_351] : memref<64x128x768xf32, #tpu.memory_space<hbm>> -> memref<1x8x768xf32, #tpu.memory_space<hbm>>
    %dma_wait3A_353 = tpu.memref_squeeze %dma_wait3A_352 : memref<1x8x768xf32, #tpu.memory_space<hbm>> -> memref<8x768xf32, #tpu.memory_space<hbm>>
    %dma_wait3A_354 = arith.constant 0 : i32
    %dma_wait3A_355 = tpu.memref_slice %arg6[%add3A_108, %mul3A_0, %dma_wait3A_354] : memref<64x128x768xf32, #tpu.memory_space<hbm>> -> memref<1x8x768xf32, #tpu.memory_space<hbm>>
    %dma_wait3A_356 = tpu.memref_squeeze %dma_wait3A_355 : memref<1x8x768xf32, #tpu.memory_space<hbm>> -> memref<8x768xf32, #tpu.memory_space<hbm>>
    tpu.wait_dma2 semaphore(%arg12 : memref<!tpu.dma_semaphore, #tpu.memory_space<semaphore_mem>>) src(%arg9 : memref<8x768xf32, #tpu.memory_space<vmem>>) dst(%dma_wait3A_356 : memref<8x768xf32, #tpu.memory_space<hbm>>)
    %dma_wait3A_357 = arith.constant 0 : i32
    %dma_wait3A_358 = tpu.memref_slice %arg6[%add3A_116, %mul3A_0, %dma_wait3A_357] : memref<64x128x768xf32, #tpu.memory_space<hbm>> -> memref<1x8x768xf32, #tpu.memory_space<hbm>>
    %dma_wait3A_359 = tpu.memref_squeeze %dma_wait3A_358 : memref<1x8x768xf32, #tpu.memory_space<hbm>> -> memref<8x768xf32, #tpu.memory_space<hbm>>
    %dma_wait3A_360 = arith.constant 0 : i32
    %dma_wait3A_361 = tpu.memref_slice %arg6[%add3A_116, %mul3A_0, %dma_wait3A_360] : memref<64x128x768xf32, #tpu.memory_space<hbm>> -> memref<1x8x768xf32, #tpu.memory_space<hbm>>
    %dma_wait3A_362 = tpu.memref_squeeze %dma_wait3A_361 : memref<1x8x768xf32, #tpu.memory_space<hbm>> -> memref<8x768xf32, #tpu.memory_space<hbm>>
    tpu.wait_dma2 semaphore(%arg12 : memref<!tpu.dma_semaphore, #tpu.memory_space<semaphore_mem>>) src(%arg9 : memref<8x768xf32, #tpu.memory_space<vmem>>) dst(%dma_wait3A_362 : memref<8x768xf32, #tpu.memory_space<hbm>>)
    %dma_wait3A_363 = arith.constant 0 : i32
    %dma_wait3A_364 = tpu.memref_slice %arg6[%add3A_124, %mul3A_0, %dma_wait3A_363] : memref<64x128x768xf32, #tpu.memory_space<hbm>> -> memref<1x8x768xf32, #tpu.memory_space<hbm>>
    %dma_wait3A_365 = tpu.memref_squeeze %dma_wait3A_364 : memref<1x8x768xf32, #tpu.memory_space<hbm>> -> memref<8x768xf32, #tpu.memory_space<hbm>>
    %dma_wait3A_366 = arith.constant 0 : i32
    %dma_wait3A_367 = tpu.memref_slice %arg6[%add3A_124, %mul3A_0, %dma_wait3A_366] : memref<64x128x768xf32, #tpu.memory_space<hbm>> -> memref<1x8x768xf32, #tpu.memory_space<hbm>>
    %dma_wait3A_368 = tpu.memref_squeeze %dma_wait3A_367 : memref<1x8x768xf32, #tpu.memory_space<hbm>> -> memref<8x768xf32, #tpu.memory_space<hbm>>
    tpu.wait_dma2 semaphore(%arg12 : memref<!tpu.dma_semaphore, #tpu.memory_space<semaphore_mem>>) src(%arg9 : memref<8x768xf32, #tpu.memory_space<vmem>>) dst(%dma_wait3A_368 : memref<8x768xf32, #tpu.memory_space<hbm>>)
    %dma_wait3A_369 = arith.constant 0 : i32
    %dma_wait3A_370 = tpu.memref_slice %arg6[%add3A_132, %mul3A_0, %dma_wait3A_369] : memref<64x128x768xf32, #tpu.memory_space<hbm>> -> memref<1x8x768xf32, #tpu.memory_space<hbm>>
    %dma_wait3A_371 = tpu.memref_squeeze %dma_wait3A_370 : memref<1x8x768xf32, #tpu.memory_space<hbm>> -> memref<8x768xf32, #tpu.memory_space<hbm>>
    %dma_wait3A_372 = arith.constant 0 : i32
    %dma_wait3A_373 = tpu.memref_slice %arg6[%add3A_132, %mul3A_0, %dma_wait3A_372] : memref<64x128x768xf32, #tpu.memory_space<hbm>> -> memref<1x8x768xf32, #tpu.memory_space<hbm>>
    %dma_wait3A_374 = tpu.memref_squeeze %dma_wait3A_373 : memref<1x8x768xf32, #tpu.memory_space<hbm>> -> memref<8x768xf32, #tpu.memory_space<hbm>>
    tpu.wait_dma2 semaphore(%arg12 : memref<!tpu.dma_semaphore, #tpu.memory_space<semaphore_mem>>) src(%arg9 : memref<8x768xf32, #tpu.memory_space<vmem>>) dst(%dma_wait3A_374 : memref<8x768xf32, #tpu.memory_space<hbm>>)
    %dma_wait3A_375 = arith.constant 0 : i32
    %dma_wait3A_376 = tpu.memref_slice %arg6[%add3A_140, %mul3A_0, %dma_wait3A_375] : memref<64x128x768xf32, #tpu.memory_space<hbm>> -> memref<1x8x768xf32, #tpu.memory_space<hbm>>
    %dma_wait3A_377 = tpu.memref_squeeze %dma_wait3A_376 : memref<1x8x768xf32, #tpu.memory_space<hbm>> -> memref<8x768xf32, #tpu.memory_space<hbm>>
    %dma_wait3A_378 = arith.constant 0 : i32
    %dma_wait3A_379 = tpu.memref_slice %arg6[%add3A_140, %mul3A_0, %dma_wait3A_378] : memref<64x128x768xf32, #tpu.memory_space<hbm>> -> memref<1x8x768xf32, #tpu.memory_space<hbm>>
    %dma_wait3A_380 = tpu.memref_squeeze %dma_wait3A_379 : memref<1x8x768xf32, #tpu.memory_space<hbm>> -> memref<8x768xf32, #tpu.memory_space<hbm>>
    tpu.wait_dma2 semaphore(%arg12 : memref<!tpu.dma_semaphore, #tpu.memory_space<semaphore_mem>>) src(%arg9 : memref<8x768xf32, #tpu.memory_space<vmem>>) dst(%dma_wait3A_380 : memref<8x768xf32, #tpu.memory_space<hbm>>)
    %dma_wait3A_381 = arith.constant 0 : i32
    %dma_wait3A_382 = tpu.memref_slice %arg6[%add3A_148, %mul3A_0, %dma_wait3A_381] : memref<64x128x768xf32, #tpu.memory_space<hbm>> -> memref<1x8x768xf32, #tpu.memory_space<hbm>>
    %dma_wait3A_383 = tpu.memref_squeeze %dma_wait3A_382 : memref<1x8x768xf32, #tpu.memory_space<hbm>> -> memref<8x768xf32, #tpu.memory_space<hbm>>
    %dma_wait3A_384 = arith.constant 0 : i32
    %dma_wait3A_385 = tpu.memref_slice %arg6[%add3A_148, %mul3A_0, %dma_wait3A_384] : memref<64x128x768xf32, #tpu.memory_space<hbm>> -> memref<1x8x768xf32, #tpu.memory_space<hbm>>
    %dma_wait3A_386 = tpu.memref_squeeze %dma_wait3A_385 : memref<1x8x768xf32, #tpu.memory_space<hbm>> -> memref<8x768xf32, #tpu.memory_space<hbm>>
    tpu.wait_dma2 semaphore(%arg12 : memref<!tpu.dma_semaphore, #tpu.memory_space<semaphore_mem>>) src(%arg9 : memref<8x768xf32, #tpu.memory_space<vmem>>) dst(%dma_wait3A_386 : memref<8x768xf32, #tpu.memory_space<hbm>>)
    %dma_wait3A_387 = arith.constant 0 : i32
    %dma_wait3A_388 = tpu.memref_slice %arg6[%add3A_156, %mul3A_0, %dma_wait3A_387] : memref<64x128x768xf32, #tpu.memory_space<hbm>> -> memref<1x8x768xf32, #tpu.memory_space<hbm>>
    %dma_wait3A_389 = tpu.memref_squeeze %dma_wait3A_388 : memref<1x8x768xf32, #tpu.memory_space<hbm>> -> memref<8x768xf32, #tpu.memory_space<hbm>>
    %dma_wait3A_390 = arith.constant 0 : i32
    %dma_wait3A_391 = tpu.memref_slice %arg6[%add3A_156, %mul3A_0, %dma_wait3A_390] : memref<64x128x768xf32, #tpu.memory_space<hbm>> -> memref<1x8x768xf32, #tpu.memory_space<hbm>>
    %dma_wait3A_392 = tpu.memref_squeeze %dma_wait3A_391 : memref<1x8x768xf32, #tpu.memory_space<hbm>> -> memref<8x768xf32, #tpu.memory_space<hbm>>
    tpu.wait_dma2 semaphore(%arg12 : memref<!tpu.dma_semaphore, #tpu.memory_space<semaphore_mem>>) src(%arg9 : memref<8x768xf32, #tpu.memory_space<vmem>>) dst(%dma_wait3A_392 : memref<8x768xf32, #tpu.memory_space<hbm>>)
    %dma_wait3A_393 = arith.constant 0 : i32
    %dma_wait3A_394 = tpu.memref_slice %arg6[%add3A_164, %mul3A_0, %dma_wait3A_393] : memref<64x128x768xf32, #tpu.memory_space<hbm>> -> memref<1x8x768xf32, #tpu.memory_space<hbm>>
    %dma_wait3A_395 = tpu.memref_squeeze %dma_wait3A_394 : memref<1x8x768xf32, #tpu.memory_space<hbm>> -> memref<8x768xf32, #tpu.memory_space<hbm>>
    %dma_wait3A_396 = arith.constant 0 : i32
    %dma_wait3A_397 = tpu.memref_slice %arg6[%add3A_164, %mul3A_0, %dma_wait3A_396] : memref<64x128x768xf32, #tpu.memory_space<hbm>> -> memref<1x8x768xf32, #tpu.memory_space<hbm>>
    %dma_wait3A_398 = tpu.memref_squeeze %dma_wait3A_397 : memref<1x8x768xf32, #tpu.memory_space<hbm>> -> memref<8x768xf32, #tpu.memory_space<hbm>>
    tpu.wait_dma2 semaphore(%arg12 : memref<!tpu.dma_semaphore, #tpu.memory_space<semaphore_mem>>) src(%arg9 : memref<8x768xf32, #tpu.memory_space<vmem>>) dst(%dma_wait3A_398 : memref<8x768xf32, #tpu.memory_space<hbm>>)
    %dma_wait3A_399 = arith.constant 0 : i32
    %dma_wait3A_400 = tpu.memref_slice %arg6[%add3A_172, %mul3A_0, %dma_wait3A_399] : memref<64x128x768xf32, #tpu.memory_space<hbm>> -> memref<1x8x768xf32, #tpu.memory_space<hbm>>
    %dma_wait3A_401 = tpu.memref_squeeze %dma_wait3A_400 : memref<1x8x768xf32, #tpu.memory_space<hbm>> -> memref<8x768xf32, #tpu.memory_space<hbm>>
    %dma_wait3A_402 = arith.constant 0 : i32
    %dma_wait3A_403 = tpu.memref_slice %arg6[%add3A_172, %mul3A_0, %dma_wait3A_402] : memref<64x128x768xf32, #tpu.memory_space<hbm>> -> memref<1x8x768xf32, #tpu.memory_space<hbm>>
    %dma_wait3A_404 = tpu.memref_squeeze %dma_wait3A_403 : memref<1x8x768xf32, #tpu.memory_space<hbm>> -> memref<8x768xf32, #tpu.memory_space<hbm>>
    tpu.wait_dma2 semaphore(%arg12 : memref<!tpu.dma_semaphore, #tpu.memory_space<semaphore_mem>>) src(%arg9 : memref<8x768xf32, #tpu.memory_space<vmem>>) dst(%dma_wait3A_404 : memref<8x768xf32, #tpu.memory_space<hbm>>)
    %dma_wait3A_405 = arith.constant 0 : i32
    %dma_wait3A_406 = tpu.memref_slice %arg6[%add3A_180, %mul3A_0, %dma_wait3A_405] : memref<64x128x768xf32, #tpu.memory_space<hbm>> -> memref<1x8x768xf32, #tpu.memory_space<hbm>>
    %dma_wait3A_407 = tpu.memref_squeeze %dma_wait3A_406 : memref<1x8x768xf32, #tpu.memory_space<hbm>> -> memref<8x768xf32, #tpu.memory_space<hbm>>
    %dma_wait3A_408 = arith.constant 0 : i32
    %dma_wait3A_409 = tpu.memref_slice %arg6[%add3A_180, %mul3A_0, %dma_wait3A_408] : memref<64x128x768xf32, #tpu.memory_space<hbm>> -> memref<1x8x768xf32, #tpu.memory_space<hbm>>
    %dma_wait3A_410 = tpu.memref_squeeze %dma_wait3A_409 : memref<1x8x768xf32, #tpu.memory_space<hbm>> -> memref<8x768xf32, #tpu.memory_space<hbm>>
    tpu.wait_dma2 semaphore(%arg12 : memref<!tpu.dma_semaphore, #tpu.memory_space<semaphore_mem>>) src(%arg9 : memref<8x768xf32, #tpu.memory_space<vmem>>) dst(%dma_wait3A_410 : memref<8x768xf32, #tpu.memory_space<hbm>>)
    %dma_wait3A_411 = arith.constant 0 : i32
    %dma_wait3A_412 = tpu.memref_slice %arg6[%add3A_188, %mul3A_0, %dma_wait3A_411] : memref<64x128x768xf32, #tpu.memory_space<hbm>> -> memref<1x8x768xf32, #tpu.memory_space<hbm>>
    %dma_wait3A_413 = tpu.memref_squeeze %dma_wait3A_412 : memref<1x8x768xf32, #tpu.memory_space<hbm>> -> memref<8x768xf32, #tpu.memory_space<hbm>>
    %dma_wait3A_414 = arith.constant 0 : i32
    %dma_wait3A_415 = tpu.memref_slice %arg6[%add3A_188, %mul3A_0, %dma_wait3A_414] : memref<64x128x768xf32, #tpu.memory_space<hbm>> -> memref<1x8x768xf32, #tpu.memory_space<hbm>>
    %dma_wait3A_416 = tpu.memref_squeeze %dma_wait3A_415 : memref<1x8x768xf32, #tpu.memory_space<hbm>> -> memref<8x768xf32, #tpu.memory_space<hbm>>
    tpu.wait_dma2 semaphore(%arg12 : memref<!tpu.dma_semaphore, #tpu.memory_space<semaphore_mem>>) src(%arg9 : memref<8x768xf32, #tpu.memory_space<vmem>>) dst(%dma_wait3A_416 : memref<8x768xf32, #tpu.memory_space<hbm>>)
    %dma_wait3A_417 = arith.constant 0 : i32
    %dma_wait3A_418 = tpu.memref_slice %arg6[%add3A_196, %mul3A_0, %dma_wait3A_417] : memref<64x128x768xf32, #tpu.memory_space<hbm>> -> memref<1x8x768xf32, #tpu.memory_space<hbm>>
    %dma_wait3A_419 = tpu.memref_squeeze %dma_wait3A_418 : memref<1x8x768xf32, #tpu.memory_space<hbm>> -> memref<8x768xf32, #tpu.memory_space<hbm>>
    %dma_wait3A_420 = arith.constant 0 : i32
    %dma_wait3A_421 = tpu.memref_slice %arg6[%add3A_196, %mul3A_0, %dma_wait3A_420] : memref<64x128x768xf32, #tpu.memory_space<hbm>> -> memref<1x8x768xf32, #tpu.memory_space<hbm>>
    %dma_wait3A_422 = tpu.memref_squeeze %dma_wait3A_421 : memref<1x8x768xf32, #tpu.memory_space<hbm>> -> memref<8x768xf32, #tpu.memory_space<hbm>>
    tpu.wait_dma2 semaphore(%arg12 : memref<!tpu.dma_semaphore, #tpu.memory_space<semaphore_mem>>) src(%arg9 : memref<8x768xf32, #tpu.memory_space<vmem>>) dst(%dma_wait3A_422 : memref<8x768xf32, #tpu.memory_space<hbm>>)
    %dma_wait3A_423 = arith.constant 0 : i32
    %dma_wait3A_424 = tpu.memref_slice %arg6[%add3A_204, %mul3A_0, %dma_wait3A_423] : memref<64x128x768xf32, #tpu.memory_space<hbm>> -> memref<1x8x768xf32, #tpu.memory_space<hbm>>
    %dma_wait3A_425 = tpu.memref_squeeze %dma_wait3A_424 : memref<1x8x768xf32, #tpu.memory_space<hbm>> -> memref<8x768xf32, #tpu.memory_space<hbm>>
    %dma_wait3A_426 = arith.constant 0 : i32
    %dma_wait3A_427 = tpu.memref_slice %arg6[%add3A_204, %mul3A_0, %dma_wait3A_426] : memref<64x128x768xf32, #tpu.memory_space<hbm>> -> memref<1x8x768xf32, #tpu.memory_space<hbm>>
    %dma_wait3A_428 = tpu.memref_squeeze %dma_wait3A_427 : memref<1x8x768xf32, #tpu.memory_space<hbm>> -> memref<8x768xf32, #tpu.memory_space<hbm>>
    tpu.wait_dma2 semaphore(%arg12 : memref<!tpu.dma_semaphore, #tpu.memory_space<semaphore_mem>>) src(%arg9 : memref<8x768xf32, #tpu.memory_space<vmem>>) dst(%dma_wait3A_428 : memref<8x768xf32, #tpu.memory_space<hbm>>)
    %dma_wait3A_429 = arith.constant 0 : i32
    %dma_wait3A_430 = tpu.memref_slice %arg6[%add3A_212, %mul3A_0, %dma_wait3A_429] : memref<64x128x768xf32, #tpu.memory_space<hbm>> -> memref<1x8x768xf32, #tpu.memory_space<hbm>>
    %dma_wait3A_431 = tpu.memref_squeeze %dma_wait3A_430 : memref<1x8x768xf32, #tpu.memory_space<hbm>> -> memref<8x768xf32, #tpu.memory_space<hbm>>
    %dma_wait3A_432 = arith.constant 0 : i32
    %dma_wait3A_433 = tpu.memref_slice %arg6[%add3A_212, %mul3A_0, %dma_wait3A_432] : memref<64x128x768xf32, #tpu.memory_space<hbm>> -> memref<1x8x768xf32, #tpu.memory_space<hbm>>
    %dma_wait3A_434 = tpu.memref_squeeze %dma_wait3A_433 : memref<1x8x768xf32, #tpu.memory_space<hbm>> -> memref<8x768xf32, #tpu.memory_space<hbm>>
    tpu.wait_dma2 semaphore(%arg12 : memref<!tpu.dma_semaphore, #tpu.memory_space<semaphore_mem>>) src(%arg9 : memref<8x768xf32, #tpu.memory_space<vmem>>) dst(%dma_wait3A_434 : memref<8x768xf32, #tpu.memory_space<hbm>>)
    %dma_wait3A_435 = arith.constant 0 : i32
    %dma_wait3A_436 = tpu.memref_slice %arg6[%add3A_220, %mul3A_0, %dma_wait3A_435] : memref<64x128x768xf32, #tpu.memory_space<hbm>> -> memref<1x8x768xf32, #tpu.memory_space<hbm>>
    %dma_wait3A_437 = tpu.memref_squeeze %dma_wait3A_436 : memref<1x8x768xf32, #tpu.memory_space<hbm>> -> memref<8x768xf32, #tpu.memory_space<hbm>>
    %dma_wait3A_438 = arith.constant 0 : i32
    %dma_wait3A_439 = tpu.memref_slice %arg6[%add3A_220, %mul3A_0, %dma_wait3A_438] : memref<64x128x768xf32, #tpu.memory_space<hbm>> -> memref<1x8x768xf32, #tpu.memory_space<hbm>>
    %dma_wait3A_440 = tpu.memref_squeeze %dma_wait3A_439 : memref<1x8x768xf32, #tpu.memory_space<hbm>> -> memref<8x768xf32, #tpu.memory_space<hbm>>
    tpu.wait_dma2 semaphore(%arg12 : memref<!tpu.dma_semaphore, #tpu.memory_space<semaphore_mem>>) src(%arg9 : memref<8x768xf32, #tpu.memory_space<vmem>>) dst(%dma_wait3A_440 : memref<8x768xf32, #tpu.memory_space<hbm>>)
    %dma_wait3A_441 = arith.constant 0 : i32
    %dma_wait3A_442 = tpu.memref_slice %arg6[%add3A_228, %mul3A_0, %dma_wait3A_441] : memref<64x128x768xf32, #tpu.memory_space<hbm>> -> memref<1x8x768xf32, #tpu.memory_space<hbm>>
    %dma_wait3A_443 = tpu.memref_squeeze %dma_wait3A_442 : memref<1x8x768xf32, #tpu.memory_space<hbm>> -> memref<8x768xf32, #tpu.memory_space<hbm>>
    %dma_wait3A_444 = arith.constant 0 : i32
    %dma_wait3A_445 = tpu.memref_slice %arg6[%add3A_228, %mul3A_0, %dma_wait3A_444] : memref<64x128x768xf32, #tpu.memory_space<hbm>> -> memref<1x8x768xf32, #tpu.memory_space<hbm>>
    %dma_wait3A_446 = tpu.memref_squeeze %dma_wait3A_445 : memref<1x8x768xf32, #tpu.memory_space<hbm>> -> memref<8x768xf32, #tpu.memory_space<hbm>>
    tpu.wait_dma2 semaphore(%arg12 : memref<!tpu.dma_semaphore, #tpu.memory_space<semaphore_mem>>) src(%arg9 : memref<8x768xf32, #tpu.memory_space<vmem>>) dst(%dma_wait3A_446 : memref<8x768xf32, #tpu.memory_space<hbm>>)
    %dma_wait3A_447 = arith.constant 0 : i32
    %dma_wait3A_448 = tpu.memref_slice %arg6[%add3A_236, %mul3A_0, %dma_wait3A_447] : memref<64x128x768xf32, #tpu.memory_space<hbm>> -> memref<1x8x768xf32, #tpu.memory_space<hbm>>
    %dma_wait3A_449 = tpu.memref_squeeze %dma_wait3A_448 : memref<1x8x768xf32, #tpu.memory_space<hbm>> -> memref<8x768xf32, #tpu.memory_space<hbm>>
    %dma_wait3A_450 = arith.constant 0 : i32
    %dma_wait3A_451 = tpu.memref_slice %arg6[%add3A_236, %mul3A_0, %dma_wait3A_450] : memref<64x128x768xf32, #tpu.memory_space<hbm>> -> memref<1x8x768xf32, #tpu.memory_space<hbm>>
    %dma_wait3A_452 = tpu.memref_squeeze %dma_wait3A_451 : memref<1x8x768xf32, #tpu.memory_space<hbm>> -> memref<8x768xf32, #tpu.memory_space<hbm>>
    tpu.wait_dma2 semaphore(%arg12 : memref<!tpu.dma_semaphore, #tpu.memory_space<semaphore_mem>>) src(%arg9 : memref<8x768xf32, #tpu.memory_space<vmem>>) dst(%dma_wait3A_452 : memref<8x768xf32, #tpu.memory_space<hbm>>)
    %dma_wait3A_453 = arith.constant 0 : i32
    %dma_wait3A_454 = tpu.memref_slice %arg6[%add3A_244, %mul3A_0, %dma_wait3A_453] : memref<64x128x768xf32, #tpu.memory_space<hbm>> -> memref<1x8x768xf32, #tpu.memory_space<hbm>>
    %dma_wait3A_455 = tpu.memref_squeeze %dma_wait3A_454 : memref<1x8x768xf32, #tpu.memory_space<hbm>> -> memref<8x768xf32, #tpu.memory_space<hbm>>
    %dma_wait3A_456 = arith.constant 0 : i32
    %dma_wait3A_457 = tpu.memref_slice %arg6[%add3A_244, %mul3A_0, %dma_wait3A_456] : memref<64x128x768xf32, #tpu.memory_space<hbm>> -> memref<1x8x768xf32, #tpu.memory_space<hbm>>
    %dma_wait3A_458 = tpu.memref_squeeze %dma_wait3A_457 : memref<1x8x768xf32, #tpu.memory_space<hbm>> -> memref<8x768xf32, #tpu.memory_space<hbm>>
    tpu.wait_dma2 semaphore(%arg12 : memref<!tpu.dma_semaphore, #tpu.memory_space<semaphore_mem>>) src(%arg9 : memref<8x768xf32, #tpu.memory_space<vmem>>) dst(%dma_wait3A_458 : memref<8x768xf32, #tpu.memory_space<hbm>>)
    %dma_wait3A_459 = arith.constant 0 : i32
    %dma_wait3A_460 = tpu.memref_slice %arg6[%add3A_252, %mul3A_0, %dma_wait3A_459] : memref<64x128x768xf32, #tpu.memory_space<hbm>> -> memref<1x8x768xf32, #tpu.memory_space<hbm>>
    %dma_wait3A_461 = tpu.memref_squeeze %dma_wait3A_460 : memref<1x8x768xf32, #tpu.memory_space<hbm>> -> memref<8x768xf32, #tpu.memory_space<hbm>>
    %dma_wait3A_462 = arith.constant 0 : i32
    %dma_wait3A_463 = tpu.memref_slice %arg6[%add3A_252, %mul3A_0, %dma_wait3A_462] : memref<64x128x768xf32, #tpu.memory_space<hbm>> -> memref<1x8x768xf32, #tpu.memory_space<hbm>>
    %dma_wait3A_464 = tpu.memref_squeeze %dma_wait3A_463 : memref<1x8x768xf32, #tpu.memory_space<hbm>> -> memref<8x768xf32, #tpu.memory_space<hbm>>
    tpu.wait_dma2 semaphore(%arg12 : memref<!tpu.dma_semaphore, #tpu.memory_space<semaphore_mem>>) src(%arg9 : memref<8x768xf32, #tpu.memory_space<vmem>>) dst(%dma_wait3A_464 : memref<8x768xf32, #tpu.memory_space<hbm>>)
    %dma_wait3A_465 = arith.constant 0 : i32
    %dma_wait3A_466 = tpu.memref_slice %arg6[%add3A_260, %mul3A_0, %dma_wait3A_465] : memref<64x128x768xf32, #tpu.memory_space<hbm>> -> memref<1x8x768xf32, #tpu.memory_space<hbm>>
    %dma_wait3A_467 = tpu.memref_squeeze %dma_wait3A_466 : memref<1x8x768xf32, #tpu.memory_space<hbm>> -> memref<8x768xf32, #tpu.memory_space<hbm>>
    %dma_wait3A_468 = arith.constant 0 : i32
    %dma_wait3A_469 = tpu.memref_slice %arg6[%add3A_260, %mul3A_0, %dma_wait3A_468] : memref<64x128x768xf32, #tpu.memory_space<hbm>> -> memref<1x8x768xf32, #tpu.memory_space<hbm>>
    %dma_wait3A_470 = tpu.memref_squeeze %dma_wait3A_469 : memref<1x8x768xf32, #tpu.memory_space<hbm>> -> memref<8x768xf32, #tpu.memory_space<hbm>>
    tpu.wait_dma2 semaphore(%arg12 : memref<!tpu.dma_semaphore, #tpu.memory_space<semaphore_mem>>) src(%arg9 : memref<8x768xf32, #tpu.memory_space<vmem>>) dst(%dma_wait3A_470 : memref<8x768xf32, #tpu.memory_space<hbm>>)
    %dma_wait3A_471 = arith.constant 0 : i32
    %dma_wait3A_472 = tpu.memref_slice %arg6[%add3A_268, %mul3A_0, %dma_wait3A_471] : memref<64x128x768xf32, #tpu.memory_space<hbm>> -> memref<1x8x768xf32, #tpu.memory_space<hbm>>
    %dma_wait3A_473 = tpu.memref_squeeze %dma_wait3A_472 : memref<1x8x768xf32, #tpu.memory_space<hbm>> -> memref<8x768xf32, #tpu.memory_space<hbm>>
    %dma_wait3A_474 = arith.constant 0 : i32
    %dma_wait3A_475 = tpu.memref_slice %arg6[%add3A_268, %mul3A_0, %dma_wait3A_474] : memref<64x128x768xf32, #tpu.memory_space<hbm>> -> memref<1x8x768xf32, #tpu.memory_space<hbm>>
    %dma_wait3A_476 = tpu.memref_squeeze %dma_wait3A_475 : memref<1x8x768xf32, #tpu.memory_space<hbm>> -> memref<8x768xf32, #tpu.memory_space<hbm>>
    tpu.wait_dma2 semaphore(%arg12 : memref<!tpu.dma_semaphore, #tpu.memory_space<semaphore_mem>>) src(%arg9 : memref<8x768xf32, #tpu.memory_space<vmem>>) dst(%dma_wait3A_476 : memref<8x768xf32, #tpu.memory_space<hbm>>)
    %dma_wait3A_477 = arith.constant 0 : i32
    %dma_wait3A_478 = tpu.memref_slice %arg6[%add3A_276, %mul3A_0, %dma_wait3A_477] : memref<64x128x768xf32, #tpu.memory_space<hbm>> -> memref<1x8x768xf32, #tpu.memory_space<hbm>>
    %dma_wait3A_479 = tpu.memref_squeeze %dma_wait3A_478 : memref<1x8x768xf32, #tpu.memory_space<hbm>> -> memref<8x768xf32, #tpu.memory_space<hbm>>
    %dma_wait3A_480 = arith.constant 0 : i32
    %dma_wait3A_481 = tpu.memref_slice %arg6[%add3A_276, %mul3A_0, %dma_wait3A_480] : memref<64x128x768xf32, #tpu.memory_space<hbm>> -> memref<1x8x768xf32, #tpu.memory_space<hbm>>
    %dma_wait3A_482 = tpu.memref_squeeze %dma_wait3A_481 : memref<1x8x768xf32, #tpu.memory_space<hbm>> -> memref<8x768xf32, #tpu.memory_space<hbm>>
    tpu.wait_dma2 semaphore(%arg12 : memref<!tpu.dma_semaphore, #tpu.memory_space<semaphore_mem>>) src(%arg9 : memref<8x768xf32, #tpu.memory_space<vmem>>) dst(%dma_wait3A_482 : memref<8x768xf32, #tpu.memory_space<hbm>>)
    %dma_wait3A_483 = arith.constant 0 : i32
    %dma_wait3A_484 = tpu.memref_slice %arg6[%add3A_284, %mul3A_0, %dma_wait3A_483] : memref<64x128x768xf32, #tpu.memory_space<hbm>> -> memref<1x8x768xf32, #tpu.memory_space<hbm>>
    %dma_wait3A_485 = tpu.memref_squeeze %dma_wait3A_484 : memref<1x8x768xf32, #tpu.memory_space<hbm>> -> memref<8x768xf32, #tpu.memory_space<hbm>>
    %dma_wait3A_486 = arith.constant 0 : i32
    %dma_wait3A_487 = tpu.memref_slice %arg6[%add3A_284, %mul3A_0, %dma_wait3A_486] : memref<64x128x768xf32, #tpu.memory_space<hbm>> -> memref<1x8x768xf32, #tpu.memory_space<hbm>>
    %dma_wait3A_488 = tpu.memref_squeeze %dma_wait3A_487 : memref<1x8x768xf32, #tpu.memory_space<hbm>> -> memref<8x768xf32, #tpu.memory_space<hbm>>
    tpu.wait_dma2 semaphore(%arg12 : memref<!tpu.dma_semaphore, #tpu.memory_space<semaphore_mem>>) src(%arg9 : memref<8x768xf32, #tpu.memory_space<vmem>>) dst(%dma_wait3A_488 : memref<8x768xf32, #tpu.memory_space<hbm>>)
    %dma_wait3A_489 = arith.constant 0 : i32
    %dma_wait3A_490 = tpu.memref_slice %arg6[%add3A_292, %mul3A_0, %dma_wait3A_489] : memref<64x128x768xf32, #tpu.memory_space<hbm>> -> memref<1x8x768xf32, #tpu.memory_space<hbm>>
    %dma_wait3A_491 = tpu.memref_squeeze %dma_wait3A_490 : memref<1x8x768xf32, #tpu.memory_space<hbm>> -> memref<8x768xf32, #tpu.memory_space<hbm>>
    %dma_wait3A_492 = arith.constant 0 : i32
    %dma_wait3A_493 = tpu.memref_slice %arg6[%add3A_292, %mul3A_0, %dma_wait3A_492] : memref<64x128x768xf32, #tpu.memory_space<hbm>> -> memref<1x8x768xf32, #tpu.memory_space<hbm>>
    %dma_wait3A_494 = tpu.memref_squeeze %dma_wait3A_493 : memref<1x8x768xf32, #tpu.memory_space<hbm>> -> memref<8x768xf32, #tpu.memory_space<hbm>>
    tpu.wait_dma2 semaphore(%arg12 : memref<!tpu.dma_semaphore, #tpu.memory_space<semaphore_mem>>) src(%arg9 : memref<8x768xf32, #tpu.memory_space<vmem>>) dst(%dma_wait3A_494 : memref<8x768xf32, #tpu.memory_space<hbm>>)
    %dma_wait3A_495 = arith.constant 0 : i32
    %dma_wait3A_496 = tpu.memref_slice %arg6[%add3A_300, %mul3A_0, %dma_wait3A_495] : memref<64x128x768xf32, #tpu.memory_space<hbm>> -> memref<1x8x768xf32, #tpu.memory_space<hbm>>
    %dma_wait3A_497 = tpu.memref_squeeze %dma_wait3A_496 : memref<1x8x768xf32, #tpu.memory_space<hbm>> -> memref<8x768xf32, #tpu.memory_space<hbm>>
    %dma_wait3A_498 = arith.constant 0 : i32
    %dma_wait3A_499 = tpu.memref_slice %arg6[%add3A_300, %mul3A_0, %dma_wait3A_498] : memref<64x128x768xf32, #tpu.memory_space<hbm>> -> memref<1x8x768xf32, #tpu.memory_space<hbm>>
    %dma_wait3A_500 = tpu.memref_squeeze %dma_wait3A_499 : memref<1x8x768xf32, #tpu.memory_space<hbm>> -> memref<8x768xf32, #tpu.memory_space<hbm>>
    tpu.wait_dma2 semaphore(%arg12 : memref<!tpu.dma_semaphore, #tpu.memory_space<semaphore_mem>>) src(%arg9 : memref<8x768xf32, #tpu.memory_space<vmem>>) dst(%dma_wait3A_500 : memref<8x768xf32, #tpu.memory_space<hbm>>)
    %dma_wait3A_501 = arith.constant 0 : i32
    %dma_wait3A_502 = tpu.memref_slice %arg6[%add3A_308, %mul3A_0, %dma_wait3A_501] : memref<64x128x768xf32, #tpu.memory_space<hbm>> -> memref<1x8x768xf32, #tpu.memory_space<hbm>>
    %dma_wait3A_503 = tpu.memref_squeeze %dma_wait3A_502 : memref<1x8x768xf32, #tpu.memory_space<hbm>> -> memref<8x768xf32, #tpu.memory_space<hbm>>
    %dma_wait3A_504 = arith.constant 0 : i32
    %dma_wait3A_505 = tpu.memref_slice %arg6[%add3A_308, %mul3A_0, %dma_wait3A_504] : memref<64x128x768xf32, #tpu.memory_space<hbm>> -> memref<1x8x768xf32, #tpu.memory_space<hbm>>
    %dma_wait3A_506 = tpu.memref_squeeze %dma_wait3A_505 : memref<1x8x768xf32, #tpu.memory_space<hbm>> -> memref<8x768xf32, #tpu.memory_space<hbm>>
    tpu.wait_dma2 semaphore(%arg12 : memref<!tpu.dma_semaphore, #tpu.memory_space<semaphore_mem>>) src(%arg9 : memref<8x768xf32, #tpu.memory_space<vmem>>) dst(%dma_wait3A_506 : memref<8x768xf32, #tpu.memory_space<hbm>>)
    return
  }
}

</mosaic_0001>

<sc_bundles>
// kernel: kernel.3.cloned.1.call-start
scs
__scs_entry_jumppad:
0x0: {  	(pc) =	sbr.rel $0x88, $3  }
0x1: {  	(tag) =	ssettag $0x0;
	lr =	simm.s32 $0x1  }
0x2: {  	[smem:$0x3F9D] =	sst lr;
	_ =	strace $0xD0000000  }
0x3: {  	_ = 	snop  }
0x4: {  	_ = 	snop  }
0x5: {  	_ = 	snop  }
0x6: {  	_ = 	snop  }
0x7: {  	_ = 	snop  }
__scs_overlays_trampoline_lowered:
0x8: {  	[smem:$0x3FAC] =	sst s0  }
0x9: {  	[smem:$0x3FAD] =	sst s1  }
0xa: {  	[smem:$0x3FAE] =	sst s2  }
0xb: {  	[smem:$0x3FAF] =	sst s3  }
0xc: {  	[smem:$0x3FB0] =	sst s4  }
0xd: {  	[smem:$0x3FB1] =	sst s5  }
0xe: {  	[smem:$0x3FB2] =	sst s6  }
0xf: {  	[smem:$0x3FB3] =	sst s7  }
0x10: {  	[smem:$0x3FB4] =	sst s8  }
0x11: {  	[smem:$0x3FB5] =	sst s9;
	s0 =	simm.s32 @!p0 $0x0  }
0x12: {  	s1 =	sld [smem:$0x3F9B];
	s0 =	simm.s32 @p0 $0x1  }
0x13: {  	[smem:$0x3FB6] =	sst s0;
	s0 =	simm.s32 @!p1 $0x0  }
0x14: {  	s2 =	sld [smem:$0x3F9A];
	s0 =	simm.s32 @p1 $0x1  }
0x15: {  	[smem:$0x3FB7] =	sst s0;
	s0 =	simm.s32 @!p2 $0x0  }
0x16: {  	s3 =	sld [smem:$0x3FDB];
	s0 =	simm.s32 @p2 $0x1  }
0x17: {  	s4 =	simm.s32 $0x1BF5;
	[smem:$0x3FB9] =	sst s0  }
0x18: {  	s0 =	sld [smem:$0x3F9C];
	_ =	swait.ge [sflag:s4], $0x0  }
0x19: {  	s7 =	sld [smem:$0x3F9D]  }
0x1a: {  	s8 =	sadd.s32 $0xFFFFE003, lr  }
0x1b: {  	s9 =	sadd.s32 $0xFFFFFEF7, lr;
	s5 =	simm.s32 $0xFFFFFFFF;
	p2 =	slt.u32 s8, $0xFFFFF086  }
0x1c: {  	p1 =	slt.u32 s9, $0xF7A;
	s5 =	simm.s32 @!p2 $0x0  }
0x1d: {  	s5 =	simm.s32 @p1 $0x1;
	p0 =	seq.s32 s7, s2  }
0x1e: {  	s7 =	smul.u32 @!p0 $0xF7A, s2;
	p2 =	seq.s32 @!p0 s5, $0x0  }
0x1f: {  	s9 =	smul.u32 $0xF7A, s1;
	s8 =	simm.s32 @!p0 $0x1BF5;
	p2 =	por !p2, p0  }
0x20: {  	[sflag:s8] =	ssyncset.s32 @!p0 $0xFFFFF086;
	s6 =	sadd.s32 @!p0 s3, s7;
	s7 =	simm.s32 @!p0 $0x108  }
0x21: {  	s3 =	sadd.s32 s3, s9;
	s6 =	sadd.s32 @!p0 $0x88, s6;
	s7 =	simm.s32 @p2 $0x1082  }
0x22: {  	[simem:s7], [sflag:s8] =	dma.local @!p0 [hbm:s6], $0xF7A  }
0x23: {  	s9 =	sor.u32 $0xD0000000, s2;
	s6 =	simm.s32 $0x108;
	_ =	swait.ge @!p0 [sflag:s8], $0x0  }
0x24: {  	s3 =	sadd.s32 $0x88, s3;
	s6 =	simm.s32 @!p1 $0x1082;
	[sflag:s4] =	ssyncset.s32 $0xFFFFF086  }
0x25: {  	[simem:s6], [sflag:s4] =	dma.local [hbm:s3], $0xF7A  }
0x26: {  	[smem:$0x3F9D] =	sst s1;
	(tag) =	ssettag s2;
	_ =	strace s9  }
0x27: {  	s1 =	sld [smem:$0x3FAD]  }
0x28: {  	s2 =	sld [smem:$0x3FAE]  }
0x29: {  	s4 =	sld [smem:$0x3FB0]  }
0x2a: {  	p0 =	seq.s32 s5, $0x0;
	s5 =	sld [smem:$0x3FB1]  }
0x2b: {  	s6 =	sld [smem:$0x3FB2]  }
0x2c: {  	s7 =	sld [smem:$0x3FB3]  }
0x2d: {  	s3 =	simm.s32 $0x108;
	s8 =	sld [smem:$0x3FB4]  }
0x2e: {  	s3 =	simm.s32 @!p0 $0x1082;
	s9 =	sld [smem:$0x3FB5]  }
0x2f: {  	lr =	sadd.s32 s0, s3;
	s0 =	sld [smem:$0x3FAC]  }
0x30: {  	s3 =	sld [smem:$0x3FAF]  }
0x31: {  	[smem:$0x3FB8] =	sst s10  }
0x32: {  	s10 =	sld [smem:$0x3FB6];
	_ =	sdelay $0x3  }
0x33: {  	p0 =	seq.s32 s10, $0x1;
	s10 =	sld [smem:$0x3FB8];
	_ =	sdelay $0x3  }
0x34: {  	[smem:$0x3FB8] =	sst s10  }
0x35: {  	s10 =	sld [smem:$0x3FB7];
	_ =	sdelay $0x3  }
0x36: {  	p1 =	seq.s32 s10, $0x1;
	s10 =	sld [smem:$0x3FB8];
	_ =	sdelay $0x3  }
0x37: {  	[smem:$0x3FB8] =	sst s10  }
0x38: {  	s10 =	sld [smem:$0x3FB9]  }
0x39: {  	_ = 	snop;
	(pc) =	sbr.ind lr, $3  }
0x3a: {  	_ = 	snop  }
0x3b: {  	_ = 	snop  }
0x3c: {  	p2 =	seq.s32 s10, $0x1;
	s10 =	sld [smem:$0x3FB8]  }
0x3d: {  	_ =	shalt  }
0x3e: {  	_ =	shalt  }
0x3f: {  	_ =	shalt  }
0x40: {  	_ =	shalt  }
0x41: {  	_ =	shalt  }
0x42: {  	_ =	shalt  }
0x43: {  	_ =	shalt  }
0x44: {  	_ =	shalt  }
0x45: {  	_ =	shalt  }
0x46: {  	_ =	shalt  }
0x47: {  	_ =	shalt  }
0x48: {  	_ =	shalt  }
0x49: {  	_ =	shalt  }
0x4a: {  	_ =	shalt  }
0x4b: {  	_ =	shalt  }
0x4c: {  	_ =	shalt  }
0x4d: {  	_ =	shalt  }
0x4e: {  	_ =	shalt  }
0x4f: {  	_ =	shalt  }
0x50: {  	_ =	shalt  }
0x51: {  	_ =	shalt  }
0x52: {  	_ =	shalt  }
0x53: {  	_ =	shalt  }
0x54: {  	_ =	shalt  }
0x55: {  	_ =	shalt  }
0x56: {  	_ =	shalt  }
0x57: {  	_ =	shalt  }
0x58: {  	_ =	shalt  }
0x59: {  	_ =	shalt  }
0x5a: {  	_ =	shalt  }
0x5b: {  	_ =	shalt  }
0x5c: {  	_ =	shalt  }
0x5d: {  	_ =	shalt  }
0x5e: {  	_ =	shalt  }
0x5f: {  	_ =	shalt  }
0x60: {  	_ =	shalt  }
0x61: {  	_ =	shalt  }
0x62: {  	_ =	shalt  }
0x63: {  	_ =	shalt  }
0x64: {  	_ =	shalt  }
0x65: {  	_ =	shalt  }
0x66: {  	_ =	shalt  }
0x67: {  	_ =	shalt  }
0x68: {  	_ =	shalt  }
0x69: {  	_ =	shalt  }
0x6a: {  	_ =	shalt  }
0x6b: {  	_ =	shalt  }
0x6c: {  	_ =	shalt  }
0x6d: {  	_ =	shalt  }
0x6e: {  	_ =	shalt  }
0x6f: {  	_ =	shalt  }
0x70: {  	_ =	shalt  }
0x71: {  	_ =	shalt  }
0x72: {  	_ =	shalt  }
0x73: {  	_ =	shalt  }
0x74: {  	_ =	shalt  }
0x75: {  	_ =	shalt  }
0x76: {  	_ =	shalt  }
0x77: {  	_ =	shalt  }
0x78: {  	_ =	shalt  }
0x79: {  	_ =	shalt  }
0x7a: {  	_ =	shalt  }
0x7b: {  	_ =	shalt  }
0x7c: {  	_ =	shalt  }
0x7d: {  	_ =	shalt  }
0x7e: {  	_ =	shalt  }
0x7f: {  	_ =	shalt  }
0x80: {  	_ =	shalt  }
0x81: {  	_ =	shalt  }
0x82: {  	_ =	shalt  }
0x83: {  	_ =	shalt  }
0x84: {  	_ =	shalt  }
0x85: {  	_ =	shalt  }
0x86: {  	_ =	shalt  }
0x87: {  	_ =	shalt  }
.Lfunc_end0:
.L_simem_size_0:
called_computation_lowered:
.L_overlay_start_0:
0x88: {  	s2 =	sld [smem:$0x3FD9]  }
0x89: {  	s3 =	sld [smem:$0x3FFE];
	_ =	sdelay $0x1  }
0x8a: {  	s1 =	srdreg.scid  }
0x8b: {  	s0 =	sand.u32 $0x1, s1  }
0x8c: {  	s18 =	sshll.u32 s0, $0xA;
	s2 =	sadd.s32 s3, s2  }
0x8d: {  	s2 =	sadd.s32 s2, s18  }
0x8e: {  	[smem:$0x3FC4] =	sst s2  }
0x8f: {  	_ = 	snop  }
0x90: {  	s2 =	sld [smem:$0x3FC9]  }
0x91: {  	s19 =	sld [smem:$0x3FC8]  }
0x92: {  	s4 =	sld [smem:$0x3FC7]  }
0x93: {  	s5 =	sld [smem:$0x3FC6]  }
0x94: {  	s6 =	sld [smem:$0x3FD0];
	(tm) =	ssettm $0x1  }
0x95: {  	s7 =	sld [smem:$0x3FFB];
	_ =	sdelay $0x3  }
0x96: {  	_ =	strace s7  }
0x97: {  	s7 =	sld [smem:$0x3FFC];
	_ =	sdelay $0x3  }
0x98: {  	_ =	strace s7  }
0x99: {  	s7 =	sld [smem:$0x3FFD];
	_ =	sdelay $0x3  }
0x9a: {  	_ =	strace s7  }
0x9b: {  	_ =	strace $0x8FFFFFFF  }
0x9c: {  	s20 =	sld [smem:$0x3FDB];
	_ =	sdelay $0x1  }
0x9d: {  	s8 =	simm.s32 $_scs_section_size  }
0x9e: {  	s9 =	simm.s32 $_size__tile_overlayer_lowered;
	s10 =	simm.s32 $_tile_overlayer_lowered  }
0x9f: {  	s23 =	simm.s32 $0x1BFF;
	s22 =	sshll.u32 s10, $0x1;
	s7 =	sadd.s32 s8, s20  }
0xa0: {  	s11 =	simm.s32 $0x0;
	s21 =	sshll.u32 s9, $0x1;
	s9 =	sadd.s32 s22, s7  }
0xa1: {  	[timem:s11], [sflag:s23] =	dma.local [hbm:s9], s21  }
0xa2: {  	_ =	swait.ge [sflag:s23], s21  }
0xa3: {  	s8 =	ssub.s32 $0x0, s21;
	[sflag:s23] =	ssyncset.done $0x0  }
0xa4: {  	[sflag:s23] =	ssyncadd.s32 s8;
	_ =	sdelay $0x1  }
0xa5: {  	s24 =	simm.s32 $0x1B8B  }
0xa6: {  	_ =	swait.ge [sflag:s24], $0x1  }
0xa7: {  	[sflag:s24] =	ssyncset.done $0x0  }
0xa8: {  	s25 =	simm.s32 $0x1B8E;
	[sflag:s24] =	ssyncadd.s32 $0xFFFFFFFF  }
0xa9: {  	s26 =	simm.s32 $execute0_lowered;
	[smem:$0x3FD2] =	sst s25  }
0xaa: {  	s8 =	sshll.u32 s26, $0x1;
	_ =	strace $0x80000046;
	[dreg:$0x1] =	wrdreg $0xFFFFFFFF  }
0xab: {  	s28 =	simm.s32 $_size_execute0_lowered;
	s7 =	sadd.s32 s7, s8;
	[dreg:$0x0] =	wrdreg $0x0  }
0xac: {  	s8 =	sshll.u32 s28, $0x1;
	[dreg:$0x2] =	wrdreg s7  }
0xad: {  	[dreg:$0x3] =	wrdreg s8  }
0xae: {  	[dreg:$0x4] =	wrdreg $0xC0  }
0xaf: {  	_ =	task [dreg:s11], $0x5FFFF  }
0xb0: {  	[dreg:$0x1] =	wrdreg $0xFFFFFFFF  }
0xb1: {  	[dreg:$0x0] =	wrdreg $0x60  }
0xb2: {  	[dreg:$0x2] =	wrdreg s2  }
0xb3: {  	[dreg:$0x3] =	wrdreg s19  }
0xb4: {  	[dreg:$0x4] =	wrdreg s4  }
0xb5: {  	[dreg:$0x5] =	wrdreg s5  }
0xb6: {  	[dreg:$0x6] =	wrdreg s6  }
0xb7: {  	[dreg:$0x7] =	wrdreg $0x9  }
0xb8: {  	_ =	task.clear_ibuf [dreg:s11], $0x8FFFF;
	_ =	strace $0x90000046  }
0xb9: {  	s29 =	simm.s32 $0x9;
	_ =	strace $0x80000048  }
0xba: {  	_ =	swait.ge [sflag:s29], $0x1  }
0xbb: {  	[sflag:s29] =	ssyncadd.s32 $0xFFFFFFFF  }
0xbc: {  	_ =	strace $0x90000048  }
0xbd: {  	_ =	sfence  }
0xbe: {  	s30 =	sld [smem:$0x0];
	_ =	sdelay $0x2  }
0xbf: {  	s31 =	sshll.u32 s1, $0xD;
	s1 =	sshrl.u32 s1, $0x2  }
0xc0: {  	s3 =	sand.u32 $0x4000, s31;
	s1 =	sadd.s32 s1, s30  }
0xc1: {  	s0 =	sor.u32 s3, s0;
	s1 =	sshll.u32 s1, $0x11  }
0xc2: {  	s0 =	sor.u32 s1, s0  }
0xc3: {  	s0 =	sadd.s32 $0x8F2B, s0  }
0xc4: {  	[sflag:s0] =	ssyncadd.remote.s32 $0x1  }
0xc5: {  	_ =	sfence.sel $0xFFFF  }
0xc6: {  	[dreg:$0x0] =	wrdreg $0xFFFFFFFF;
	(pc) =	sbr.abs _section_cstart, $3  }
0xc7: {  	[dreg:$0x1] =	wrdreg $0xFFFFFFFF  }
0xc8: {  	_ =	task.clear_ibuf [dreg:s11], $0x2FFFF;
	_ =	strace $0x9FFFFFFF  }
0xc9: {  	(tm) =	ssettm $0x7FFFFFFF  }
tec
execute0_lowered:
.L_overlay_start_1:
0x0: {  	(tag) =	ssettag $0x1  }
0x1: {  	s0 =	rddreg [dreg:$0x0]  }
0x2: {  	s1 =	rddreg [dreg:$0x1]  }
0x3: {  	s9 =	rddreg [dreg:$0x2]  }
0x4: {  	s10 =	rddreg [dreg:$0x3]  }
0x5: {  	s2 =	rddreg [dreg:$0x4];
	s3 =	srdreg.scid  }
0x6: {  	s8 =	stileid.u32;
	s4 =	simm.s32 $0x0;
	s3 =	sand.u32 $0x1, s3  }
0x7: {  	s5 =	smul.u32 $0x1800, s8;
	[smem:$0x7FF] =	sst s4;
	s0 =	sadd.s32 s0, s8  }
0x8: {  	s25 =	sadd.s32 s1, s8;
	_ =	strace $0x80000047;
	[dreg:$0x6] =	wrdreg s0  }
0x9: {  	s28 =	sadd.s32 $0x100, s9;
	s8 =	sadd.s32 $0x200, s10;
	[dreg:$0x7] =	wrdreg s25  }
0xa: {  	s6 =	ssub.s32 $0x2, s3;
	s3 =	smul.u32 $0x300000, s3;
	[dreg:$0x8] =	wrdreg s28  }
0xb: {  	[dreg:$0xb] =	wrdreg s8  }
0xc: {  	s7 =	sshrl.u32 s6, $0x1;
	s3 =	sor.u32 s5, s3;
	s5 =	sadd.s32 $0x200, s9  }
0xd: {  	s6 =	ssub.s32 s6, s7;
	s7 =	sadd.s32 $0x100, s10;
	[dreg:$0x9] =	wrdreg s5  }
0xe: {  	s26 =	sshrl.u32 s3, $0x3;
	[dreg:$0xa] =	wrdreg s7  }
0xf: {  	s15 =	sadd.s32 $0x120000, s3;
	s16 =	sadd.s32 $0x180000, s3;
	s20 =	sadd.s32 $0x1E0000, s3  }
0x10: {  	s21 =	sadd.s32 $0x240000, s3;
	s3 =	sadd.s32 $0x2A0000, s3;
	s25 =	smax.u32 s6, $0x1  }
0x11: {  	s9 =	sadd.s32 s2, s26;
	s0 =	sshrl.u32 s15, $0x3;
	s1 =	sshrl.u32 s16, $0x3  }
0x12: {  	s3 =	sshrl.u32 s3, $0x3;
	[dreg:$0x19] =	wrdreg s25;
	s10 =	sadd.s32 $0x3000, s9  }
0x13: {  	s15 =	simm.s32 $0x1;
	s11 =	sadd.s32 $0x6000, s9;
	[dreg:$0xc] =	wrdreg s10  }
0x14: {  	s16 =	simm.s32 $0x100;
	s12 =	sadd.s32 $0x9000, s9;
	[dreg:$0xd] =	wrdreg s11  }
0x15: {  	s13 =	sadd.s32 $0xC000, s9;
	s14 =	sadd.s32 $0xF000, s9;
	[dreg:$0xe] =	wrdreg s12  }
0x16: {  	s17 =	sadd.s32 $0x12000, s9;
	s18 =	sadd.s32 $0x15000, s9;
	[dreg:$0xf] =	wrdreg s13  }
0x17: {  	s0 =	sadd.s32 s2, s0;
	s19 =	sadd.s32 s2, s1;
	[dreg:$0x10] =	wrdreg s14  }
0x18: {  	s1 =	sshrl.u32 s21, $0x3;
	s23 =	sadd.s32 s2, s3;
	[dreg:$0x11] =	wrdreg s17  }
0x19: {  	s24 =	sadd.s32 $0x18000, s9;
	s26 =	sadd.s32 $0x1B000, s9;
	[dreg:$0x12] =	wrdreg s18  }
0x1a: {  	s28 =	sadd.s32 $0x1E000, s9;
	s29 =	sadd.s32 $0x21000, s9;
	[dreg:$0x13] =	wrdreg s0  }
0x1b: {  	s30 =	sadd.s32 $0x27000, s9;
	s31 =	sadd.s32 $0x2A000, s9;
	[dreg:$0x14] =	wrdreg s19  }
0x1c: {  	s3 =	sadd.s32 $0x39000, s9;
	s5 =	sadd.s32 $0x3F000, s9;
	[dreg:$0x17] =	wrdreg s23  }
0x1d: {  	s6 =	sadd.s32 $0x42000, s9;
	s7 =	sadd.s32 $0x45000, s9;
	[dreg:$0x18] =	wrdreg s24  }
0x1e: {  	s8 =	sadd.s32 $0x4B000, s9;
	s0 =	sshrl.u32 s20, $0x3;
	[dreg:$0x1a] =	wrdreg s26  }
0x1f: {  	s22 =	sadd.s32 s2, s1;
	[dreg:$0x1b] =	wrdreg s28;
	s1 =	sadd.s32 $0x33000, s9  }
0x20: {  	s10 =	sadd.s32 $0x4E000, s9;
	s11 =	sadd.s32 $0x51000, s9;
	s12 =	sadd.s32 $0x57000, s9  }
0x21: {  	v0 =	vlaneseq.u32;
	s13 =	sadd.s32 $0x5A000, s9;
	s14 =	sadd.s32 $0x5D000, s9;
	s17 =	simm.s32 $0x2  }
0x22: {  	v1 =	vshrl.u32 v0, $0x3;
	s18 =	simm.s32 $0x0;
	s0 =	sadd.s32 s2, s0;
	[dreg:$0x16] =	wrdreg s22  }
0x23: {  	vm0 =	vmmov $0xffff;
	v0 =	vand.u32 $0x7, v0;
	v1 =	vmul.u32 $0x8, v1;
	s2 =	sadd.s32 $0x36000, s9;
	[dreg:$0x15] =	wrdreg s0;
	s0 =	sadd.s32 $0x2D000, s9  }
.LBB2_1:
0x24: {  	s19 =	rddreg [dreg:$0x6]  }
0x25: {  	[tilespmem:s4], [sflag:$0x1] =	stream.linear.gather [hbm4b:s19+s4], $0x8, $0x38;
	[tilespmem:$0x3100] =	vst v63  }
0x26: {  	s28 =	rddreg [dreg:$0x7];
	s20 =	simm.s32 $0x80  }
0x27: {  	[tilespmem:s20], [sflag:$0x1] =	stream.linear.gather [hbm4b:s28+s4], $0x8, $0x38;
	[tilespmem:$0x3100] =	vst v63  }
0x28: {  	_ =	swait.ge [sflag:s15], $0x8  }
0x29: {  	[sflag:s15] =	ssyncset.done $0x0  }
0x2a: {  	[sflag:s15] =	ssyncadd.s32 $0xFFFFFFF8  }
0x2b: {  	_ =	swait.ge [sflag:s15], $0x8  }
0x2c: {  	[sflag:s15] =	ssyncset.done $0x0  }
0x2d: {  	[sflag:s15] =	ssyncadd.s32 $0xFFFFFFF8  }
0x2e: {  	v2 =	vld.msk [tilespmem:$0x0], $0xff;
	_ =	sdelay $0x4  }
0x2f: {  	v3 =	vshrl.u32 v2, $0x3  }
0x30: {  	v3 =	vmul.u32 $0x30, v3  }
0x31: {  	v2 =	vand.u32 $0x7, v2  }
0x32: {  	v2 =	vor.u32 v2, v3  }
0x33: {  	v2 =	vperm.xlane v2, v0;
	_ =	sdelay $0x1  }
0x34: {  	v2 =	vadd.s32 v1, v2;
	_ =	sdelay $0x3  }
0x35: {  	s21 =	rddreg [dreg:$0x2]  }
0x36: {  	[tilespmem:s16], [sflag:$0x1] =	stream.indirect_vreg.gather [hbm4b:s21+s4], $0x80, v2, vm0, $0xb8;
	[tilespmem:$0x3100] =	vst v63  }
0x37: {  	s23 =	simm.s32 $0x900;
	s22 =	rddreg [dreg:$0x8]  }
0x38: {  	[tilespmem:s23], [sflag:$0x1] =	stream.indirect_vreg.gather [hbm4b:s22+s4], $0x80, v2, vm0, $0xb8;
	[tilespmem:$0x3100] =	vst v63  }
0x39: {  	s25 =	simm.s32 $0x1100;
	s24 =	rddreg [dreg:$0x9]  }
0x3a: {  	[tilespmem:s25], [sflag:$0x1] =	stream.indirect_vreg.gather [hbm4b:s24+s4], $0x80, v2, vm0, $0xb8;
	[tilespmem:$0x3100] =	vst v63  }
0x3b: {  	v2 =	vld.msk [tilespmem:$0x80], $0xff;
	_ =	sdelay $0x4  }
0x3c: {  	v3 =	vshrl.u32 v2, $0x3  }
0x3d: {  	v3 =	vmul.u32 $0x30, v3  }
0x3e: {  	v2 =	vand.u32 $0x7, v2  }
0x3f: {  	v2 =	vor.u32 v2, v3  }
0x40: {  	v2 =	vperm.xlane v2, v0;
	_ =	sdelay $0x1  }
0x41: {  	v2 =	vadd.s32 v1, v2;
	_ =	sdelay $0x3  }
0x42: {  	s28 =	simm.s32 $0x1900;
	s26 =	rddreg [dreg:$0x3]  }
0x43: {  	[tilespmem:s28], [sflag:$0x1] =	stream.indirect_vreg.gather [hbm4b:s26+s4], $0x80, v2, vm0, $0xb8;
	[tilespmem:$0x3100] =	vst v63  }
0x44: {  	s21 =	rddreg [dreg:$0xa];
	s22 =	simm.s32 $0x2100  }
0x45: {  	[tilespmem:s22], [sflag:$0x1] =	stream.indirect_vreg.gather [hbm4b:s21+s4], $0x80, v2, vm0, $0xb8;
	[tilespmem:$0x3100] =	vst v63  }
0x46: {  	s23 =	rddreg [dreg:$0xb];
	s24 =	simm.s32 $0x2900  }
0x47: {  	[tilespmem:s24], [sflag:$0x1] =	stream.indirect_vreg.gather [hbm4b:s23+s4], $0x80, v2, vm0, $0xb8;
	[tilespmem:$0x3100] =	vst v63  }
0x48: {  	_ =	swait.ge [sflag:s15], $0x1800  }
0x49: {  	[sflag:s15] =	ssyncset.done $0x0  }
0x4a: {  	[sflag:s15] =	ssyncadd.s32 $0xFFFFE800  }
0x4b: {  	_ =	swait.ge [sflag:s15], $0x1800  }
0x4c: {  	s25 =	sand.u32 $0x40, s4;
	s26 =	sand.u32 $0x1C00, s4;
	[sflag:s15] =	ssyncset.done $0x0  }
0x4d: {  	s20 =	sor.u32 s25, s26;
	[sflag:s15] =	ssyncadd.s32 $0xFFFFE800  }
0x4e: {  	v2 =	vld [tilespmem:s20+$0x1900]  }
0x4f: {  	v5 =	vld [tilespmem:s20+$0x1910]  }
0x50: {  	v7 =	vld [tilespmem:s20+$0x1920]  }
0x51: {  	v8 =	vld [tilespmem:s20+$0x1930]  }
0x52: {  	v4 =	vld [tilespmem:s20+$0x100]  }
0x53: {  	s28 =	simm.s32 $0x200;
	s21 =	simm.s32 $0x40;
	v9 =	vld [tilespmem:s20+$0x110]  }
0x54: {  	s19 =	sand.u32 $0x1C00, s28;
	s21 =	sand.u32 $0x40, s21;
	v10 =	vld [tilespmem:s20+$0x120]  }
0x55: {  	s19 =	sor.u32 s21, s19;
	v11 =	vld [tilespmem:s20+$0x130]  }
0x56: {  	v6 =	vld [tilespmem:s19+$0x1900]  }
0x57: {  	v3 =	vld [tilespmem:s19+$0x1910];
	v12 =	vadd.f32 v2, v4  }
0x58: {  	v4 =	vld [tilespmem:s19+$0x1920];
	v9 =	vadd.f32 v5, v9  }
0x59: {  	v2 =	vld [tilespmem:s19+$0x1930];
	v10 =	vadd.f32 v7, v10;
	[tilespmem:s20+$0x100] =	vst v12  }
0x5a: {  	v8 =	vadd.f32 v8, v11;
	v5 =	vld [tilespmem:s19+$0x100];
	[tilespmem:s20+$0x110] =	vst v9  }
0x5b: {  	s22 =	simm.s32 $0x80;
	s21 =	simm.s32 $0x400;
	v7 =	vld [tilespmem:s19+$0x110];
	[tilespmem:s20+$0x120] =	vst v10  }
.LBB2_2:
0x5c: {  	s23 =	sand.u32 $0x40, s22;
	s24 =	sand.u32 $0x1C00, s21;
	p0 =	sne.s32 s22, $0x2C0;
	v9 =	vld [tilespmem:s19+$0x120];
	[tilespmem:s20+$0x130] =	vst v8;
	v8 =	vmov v3  }
0x5d: {  	s20 =	smov.u32 s19;
	v10 =	vld [tilespmem:s19+$0x130];
	v11 =	vmov v4;
	s19 =	sor.u32 s23, s24  }
0x5e: {  	v12 =	vld [tilespmem:s19+$0x1900];
	v13 =	vmov v2  }
.Ltmp0:
0x5f: {  	v3 =	vld [tilespmem:s19+$0x1910];
	v5 =	vadd.f32 v6, v5;
	(pc) =	sbr.rel @p0 .LBB2_2-.Ltmp0, $4  }
0x60: {  	v4 =	vld [tilespmem:s19+$0x1920];
	v14 =	vadd.f32 v8, v7  }
0x61: {  	v2 =	vld [tilespmem:s19+$0x1930];
	[tilespmem:s20+$0x100] =	vst v5;
	v9 =	vadd.f32 v11, v9  }
0x62: {  	v5 =	vld [tilespmem:s19+$0x100];
	[tilespmem:s20+$0x110] =	vst v14;
	v8 =	vadd.f32 v13, v10  }
0x63: {  	s21 =	sadd.s32 $0x200, s21;
	s22 =	sadd.s32 $0x40, s22;
	v7 =	vld [tilespmem:s19+$0x110];
	[tilespmem:s20+$0x120] =	vst v9;
	v6 =	vmov v12  }
0x64: {  	v9 =	vld [tilespmem:s19+$0x120];
	[tilespmem:s20+$0x130] =	vst v8  }
0x65: {  	v8 =	vld [tilespmem:s19+$0x130];
	_ =	sdelay $0x1  }
0x66: {  	v5 =	vadd.f32 v6, v5  }
0x67: {  	v3 =	vadd.f32 v3, v7  }
0x68: {  	[tilespmem:s19+$0x100] =	vst v5;
	v4 =	vadd.f32 v4, v9  }
0x69: {  	s28 =	simm.s32 $0x0;
	[tilespmem:s19+$0x110] =	vst v3;
	v2 =	vadd.f32 v2, v8  }
0x6a: {  	s21 =	sand.u32 $0x40, s28;
	s20 =	sand.u32 $0x1C00, s28;
	[tilespmem:s19+$0x120] =	vst v4  }
0x6b: {  	s23 =	sor.u32 s21, s20;
	[tilespmem:s19+$0x130] =	vst v2  }
0x6c: {  	p1 =	por $0x1, $0x1;
	v4 =	vld [tilespmem:s23+$0x1980]  }
.Ltmp1:
0x6d: {  	v10 =	vld [tilespmem:s23+$0x1990];
	(pc) =	sbr.rel @!p1 .LBB2_4-.Ltmp1, $4  }
0x6e: {  	v9 =	vld [tilespmem:s23+$0x19A0]  }
0x6f: {  	v8 =	vld [tilespmem:s23+$0x19B0]  }
0x70: {  	v2 =	vld [tilespmem:s23+$0x180]  }
0x71: {  	p0 =	por $0x0, $0x0;
	s20 =	simm.s32 $0x200;
	s21 =	simm.s32 $0x40;
	v3 =	vld [tilespmem:s23+$0x190]  }
0x72: {  	s19 =	sand.u32 $0x40, s21;
	s22 =	sand.u32 $0x1C00, s20;
	v11 =	vld [tilespmem:s23+$0x1A0]  }
0x73: {  	v12 =	vld [tilespmem:s23+$0x1B0];
	s22 =	sor.u32 s19, s22  }
0x74: {  	p3 =	por $0x1, $0x1;
	v5 =	vld [tilespmem:s22+$0x1980]  }
.Ltmp2:
0x75: {  	v6 =	vld [tilespmem:s22+$0x1990];
	v2 =	vadd.f32 v4, v2;
	(pc) =	sbr.rel @!p3 .LBB2_6-.Ltmp2, $4  }
0x76: {  	v7 =	vld [tilespmem:s22+$0x19A0];
	v3 =	vadd.f32 v10, v3  }
0x77: {  	v4 =	vld [tilespmem:s22+$0x19B0];
	[tilespmem:s23+$0x180] =	vst v2;
	v9 =	vadd.f32 v9, v11  }
0x78: {  	s24 =	simm.s32 $0x400;
	v11 =	vadd.f32 v8, v12;
	v2 =	vld [tilespmem:s22+$0x180];
	[tilespmem:s23+$0x190] =	vst v3  }
0x79: {  	s25 =	simm.s32 $0x80;
	p2 =	por $0x1, $0x1;
	s19 =	smov.u32 s23;
	v3 =	vld [tilespmem:s22+$0x190];
	[tilespmem:s23+$0x1A0] =	vst v9  }
.LBB2_7:
0x7a: {  	s26 =	sand.u32 $0x40, s25;
	s28 =	sand.u32 $0x1C00, s24;
	p3 =	sne.s32 s25, $0x2C0;
	v8 =	vld [tilespmem:s22+$0x1A0];
	[tilespmem:s19+$0x1B0] =	vst v11;
	v9 =	vmov v6  }
0x7b: {  	s19 =	smov.u32 s22;
	v10 =	vld [tilespmem:s22+$0x1B0];
	v11 =	vmov v7;
	s22 =	sor.u32 s26, s28  }
0x7c: {  	v12 =	vld [tilespmem:s22+$0x1980];
	v13 =	vmov v4  }
.Ltmp3:
0x7d: {  	v6 =	vld [tilespmem:s22+$0x1990];
	v2 =	vadd.f32 v5, v2;
	(pc) =	sbr.rel @p3 .LBB2_7-.Ltmp3, $4  }
0x7e: {  	v7 =	vld [tilespmem:s22+$0x19A0];
	v3 =	vadd.f32 v9, v3  }
0x7f: {  	v4 =	vld [tilespmem:s22+$0x19B0];
	[tilespmem:s19+$0x180] =	vst v2;
	v8 =	vadd.f32 v11, v8  }
0x80: {  	v2 =	vld [tilespmem:s22+$0x180];
	[tilespmem:s19+$0x190] =	vst v3;
	v11 =	vadd.f32 v13, v10  }
0x81: {  	s24 =	sadd.s32 $0x200, s24;
	s25 =	sadd.s32 $0x40, s25;
	v3 =	vld [tilespmem:s22+$0x190];
	[tilespmem:s19+$0x1A0] =	vst v8;
	v5 =	vmov v12  }
0x82: {  	_ =	sdelay $0x1  }
0x83: {  	v10 =	vmovc v6;
	v9 =	vmov v7;
	v8 =	vmov v4;
	v4 =	vmov v5  }
.LBB2_9:
0x84: {  	v5 =	vld [tilespmem:s22+$0x1A0];
	[tilespmem:s19+$0x1B0] =	vst @p2 v11  }
0x85: {  	v6 =	vld [tilespmem:s22+$0x1B0];
	_ =	sdelay $0x1  }
0x86: {  	v2 =	vadd.f32 v4, v2  }
0x87: {  	v3 =	vadd.f32 v10, v3  }
0x88: {  	[tilespmem:s22+$0x180] =	vst v2;
	v2 =	vadd.f32 v9, v5  }
0x89: {  	[tilespmem:s22+$0x190] =	vst v3;
	v3 =	vadd.f32 v8, v6  }
0x8a: {  	[tilespmem:s22+$0x1A0] =	vst v2  }
0x8b: {  	[tilespmem:s22+$0x1B0] =	vst v3  }
0x8c: {  	v4 =	vld [tilespmem:s23+$0x1A00]  }
.Ltmp4:
0x8d: {  	v11 =	vld [tilespmem:s23+$0x1A10];
	(pc) =	sbr.rel @!p1 .LBB2_10-.Ltmp4, $4  }
0x8e: {  	v9 =	vld [tilespmem:s23+$0x1A20]  }
0x8f: {  	v8 =	vld [tilespmem:s23+$0x1A30]  }
0x90: {  	v2 =	vld [tilespmem:s23+$0x200]  }
0x91: {  	v3 =	vld [tilespmem:s23+$0x210]  }
0x92: {  	s19 =	sand.u32 $0x40, s21;
	s20 =	sand.u32 $0x1C00, s20;
	v10 =	vld [tilespmem:s23+$0x220]  }
0x93: {  	v12 =	vld [tilespmem:s23+$0x230];
	s20 =	sor.u32 s19, s20  }
0x94: {  	p1 =	por $0x1, $0x1;
	v5 =	vld [tilespmem:s20+$0x1A00]  }
.Ltmp5:
0x95: {  	v6 =	vld [tilespmem:s20+$0x1A10];
	v2 =	vadd.f32 v4, v2;
	(pc) =	sbr.rel @!p1 .LBB2_12-.Ltmp5, $4  }
0x96: {  	v7 =	vld [tilespmem:s20+$0x1A20];
	v3 =	vadd.f32 v11, v3  }
0x97: {  	v4 =	vld [tilespmem:s20+$0x1A30];
	[tilespmem:s23+$0x200] =	vst v2;
	v9 =	vadd.f32 v9, v10  }
0x98: {  	v10 =	vadd.f32 v8, v12;
	v2 =	vld [tilespmem:s20+$0x200];
	[tilespmem:s23+$0x210] =	vst v3  }
0x99: {  	s21 =	simm.s32 $0x80;
	p0 =	por $0x1, $0x1;
	s19 =	simm.s32 $0x400;
	v3 =	vld [tilespmem:s20+$0x210];
	[tilespmem:s23+$0x220] =	vst v9  }
.LBB2_13:
0x9a: {  	s22 =	sand.u32 $0x40, s21;
	s24 =	sand.u32 $0x1C00, s19;
	p1 =	sne.s32 s21, $0x2C0;
	v8 =	vld [tilespmem:s20+$0x220];
	[tilespmem:s23+$0x230] =	vst v10;
	v9 =	vmov v6  }
0x9b: {  	s23 =	smov.u32 s20;
	v10 =	vld [tilespmem:s20+$0x230];
	v11 =	vmov v7;
	s20 =	sor.u32 s22, s24  }
0x9c: {  	v12 =	vld [tilespmem:s20+$0x1A00];
	v13 =	vmov v4  }
.Ltmp6:
0x9d: {  	v6 =	vld [tilespmem:s20+$0x1A10];
	v2 =	vadd.f32 v5, v2;
	(pc) =	sbr.rel @p1 .LBB2_13-.Ltmp6, $4  }
0x9e: {  	v7 =	vld [tilespmem:s20+$0x1A20];
	v3 =	vadd.f32 v9, v3  }
0x9f: {  	v4 =	vld [tilespmem:s20+$0x1A30];
	[tilespmem:s23+$0x200] =	vst v2;
	v8 =	vadd.f32 v11, v8  }
0xa0: {  	v2 =	vld [tilespmem:s20+$0x200];
	[tilespmem:s23+$0x210] =	vst v3;
	v10 =	vadd.f32 v13, v10  }
0xa1: {  	s19 =	sadd.s32 $0x200, s19;
	s21 =	sadd.s32 $0x40, s21;
	v3 =	vld [tilespmem:s20+$0x210];
	[tilespmem:s23+$0x220] =	vst v8;
	v5 =	vmov v12  }
0xa2: {  	_ =	sdelay $0x1  }
0xa3: {  	v11 =	vmovc v6;
	v9 =	vmov v7;
	v8 =	vmov v4;
	v4 =	vmov v5  }
.LBB2_15:
0xa4: {  	v5 =	vld [tilespmem:s20+$0x220];
	[tilespmem:s23+$0x230] =	vst @p0 v10  }
0xa5: {  	v6 =	vld [tilespmem:s20+$0x230];
	_ =	sdelay $0x1  }
0xa6: {  	v2 =	vadd.f32 v4, v2  }
0xa7: {  	v3 =	vadd.f32 v11, v3  }
0xa8: {  	[tilespmem:s20+$0x200] =	vst v2;
	v2 =	vadd.f32 v9, v5  }
0xa9: {  	s19 =	simm.s32 $0x0;
	[tilespmem:s20+$0x210] =	vst v3;
	v3 =	vadd.f32 v8, v6  }
0xaa: {  	s21 =	sand.u32 $0x40, s19;
	s22 =	sand.u32 $0x1C00, s19;
	[tilespmem:s20+$0x220] =	vst v2  }
0xab: {  	s21 =	sor.u32 s21, s22;
	[tilespmem:s20+$0x230] =	vst v3  }
0xac: {  	p1 =	por $0x1, $0x1;
	v4 =	vld [tilespmem:s21+$0x1A80]  }
.Ltmp7:
0xad: {  	v10 =	vld [tilespmem:s21+$0x1A90];
	(pc) =	sbr.rel @!p1 .LBB2_16-.Ltmp7, $4  }
0xae: {  	v9 =	vld [tilespmem:s21+$0x1AA0]  }
0xaf: {  	v5 =	vld [tilespmem:s21+$0x1AB0]  }
0xb0: {  	v2 =	vld [tilespmem:s21+$0x280]  }
0xb1: {  	p0 =	por $0x0, $0x0;
	s22 =	simm.s32 $0x200;
	s20 =	simm.s32 $0x40;
	v3 =	vld [tilespmem:s21+$0x290]  }
0xb2: {  	s23 =	sand.u32 $0x40, s20;
	s22 =	sand.u32 $0x1C00, s22;
	v11 =	vld [tilespmem:s21+$0x2A0]  }
0xb3: {  	v12 =	vld [tilespmem:s21+$0x2B0];
	s22 =	sor.u32 s23, s22  }
0xb4: {  	p2 =	por $0x1, $0x1;
	v6 =	vld [tilespmem:s22+$0x1A80]  }
.Ltmp8:
0xb5: {  	v7 =	vld [tilespmem:s22+$0x1A90];
	v2 =	vadd.f32 v4, v2;
	(pc) =	sbr.rel @!p2 .LBB2_18-.Ltmp8, $4  }
0xb6: {  	v8 =	vld [tilespmem:s22+$0x1AA0];
	v3 =	vadd.f32 v10, v3  }
0xb7: {  	v4 =	vld [tilespmem:s22+$0x1AB0];
	[tilespmem:s21+$0x280] =	vst v2;
	v9 =	vadd.f32 v9, v11  }
0xb8: {  	v11 =	vadd.f32 v5, v12;
	v2 =	vld [tilespmem:s22+$0x280];
	[tilespmem:s21+$0x290] =	vst v3  }
0xb9: {  	s24 =	simm.s32 $0x80;
	p0 =	por $0x1, $0x1;
	s23 =	simm.s32 $0x400;
	v3 =	vld [tilespmem:s22+$0x290];
	[tilespmem:s21+$0x2A0] =	vst v9  }
.LBB2_19:
0xba: {  	s25 =	sand.u32 $0x40, s24;
	s26 =	sand.u32 $0x1C00, s23;
	p2 =	sne.s32 s24, $0x2C0;
	v5 =	vld [tilespmem:s22+$0x2A0];
	[tilespmem:s21+$0x2B0] =	vst v11;
	v9 =	vmov v7  }
0xbb: {  	s21 =	smov.u32 s22;
	v10 =	vld [tilespmem:s22+$0x2B0];
	v11 =	vmov v8;
	s22 =	sor.u32 s25, s26  }
0xbc: {  	v12 =	vld [tilespmem:s22+$0x1A80];
	v13 =	vmov v4  }
.Ltmp9:
0xbd: {  	v7 =	vld [tilespmem:s22+$0x1A90];
	v2 =	vadd.f32 v6, v2;
	(pc) =	sbr.rel @p2 .LBB2_19-.Ltmp9, $4  }
0xbe: {  	v8 =	vld [tilespmem:s22+$0x1AA0];
	v3 =	vadd.f32 v9, v3  }
0xbf: {  	v4 =	vld [tilespmem:s22+$0x1AB0];
	[tilespmem:s21+$0x280] =	vst v2;
	v5 =	vadd.f32 v11, v5  }
0xc0: {  	v2 =	vld [tilespmem:s22+$0x280];
	[tilespmem:s21+$0x290] =	vst v3;
	v11 =	vadd.f32 v13, v10  }
0xc1: {  	s23 =	sadd.s32 $0x200, s23;
	s24 =	sadd.s32 $0x40, s24;
	v3 =	vld [tilespmem:s22+$0x290];
	[tilespmem:s21+$0x2A0] =	vst v5;
	v6 =	vmov v12  }
0xc2: {  	_ =	sdelay $0x1  }
0xc3: {  	v10 =	vmovc v7;
	v9 =	vmov v8;
	v5 =	vmov v4;
	v4 =	vmov v6  }
.LBB2_21:
0xc4: {  	v6 =	vld [tilespmem:s22+$0x2A0];
	[tilespmem:s21+$0x2B0] =	vst @p0 v11  }
0xc5: {  	v7 =	vld [tilespmem:s22+$0x2B0];
	_ =	sdelay $0x1  }
0xc6: {  	v2 =	vadd.f32 v4, v2  }
0xc7: {  	p0 =	por $0x0, $0x0;
	s21 =	simm.s32 $0x1;
	v3 =	vadd.f32 v10, v3  }
0xc8: {  	s21 =	simm.s32 @!p0 $0x0;
	[tilespmem:s22+$0x280] =	vst v2;
	v2 =	vadd.f32 v9, v6  }
0xc9: {  	s21 =	sshll.u32 s21, $0x6;
	[tilespmem:s22+$0x290] =	vst v3;
	v3 =	vadd.f32 v5, v7  }
0xca: {  	s23 =	sadd.s32 $0x0, s21;
	[tilespmem:s22+$0x2A0] =	vst v2  }
0xcb: {  	s25 =	sor.u32 $0x200, s23;
	[tilespmem:s22+$0x2B0] =	vst v3  }
0xcc: {  	v2 =	vld [tilespmem:s25+$0x100]  }
0xcd: {  	v3 =	vld [tilespmem:s25+$0x1900];
	_ =	sdelay $0x4  }
0xce: {  	v2 =	vadd.f32 v3, v2;
	_ =	sdelay $0x1  }
0xcf: {  	s26 =	sor.u32 $0x210, s23;
	[tilespmem:s25+$0x100] =	vst v2  }
0xd0: {  	v2 =	vld [tilespmem:s26+$0x100]  }
0xd1: {  	v3 =	vld [tilespmem:s26+$0x1900];
	_ =	sdelay $0x4  }
0xd2: {  	v2 =	vadd.f32 v3, v2;
	_ =	sdelay $0x1  }
0xd3: {  	s28 =	sor.u32 $0x220, s23;
	[tilespmem:s26+$0x100] =	vst v2  }
0xd4: {  	v2 =	vld [tilespmem:s28+$0x100]  }
0xd5: {  	v3 =	vld [tilespmem:s28+$0x1900];
	_ =	sdelay $0x4  }
0xd6: {  	v2 =	vadd.f32 v3, v2  }
.Ltmp10:
0xd7: {  	_ = 	snop;
	(pc) =	sbr.rel @!p1 .LBB2_23-.Ltmp10, $4  }
0xd8: {  	s23 =	sor.u32 $0x230, s23;
	[tilespmem:s28+$0x100] =	vst v2  }
0xd9: {  	v2 =	vld [tilespmem:s23+$0x100]  }
0xda: {  	v3 =	vld [tilespmem:s23+$0x1900]  }
0xdb: {  	p2 =	por $0x0, $0x0;
	s22 =	simm.s32 $0x0  }
.LBB2_22:
0xdc: {  	p1 =	sne.s32 s20, $0x2C0  }
0xdd: {  	s22 =	sadd.s32 $0x200, s22;
	p2 =	por !p2, !p2;
	s24 =	simm.s32 $0x1  }
0xde: {  	s20 =	sadd.s32 $0x40, s20;
	s24 =	simm.s32 @!p2 $0x0  }
0xdf: {  	s24 =	sshll.u32 s24, $0x6;
	v2 =	vadd.f32 v3, v2  }
0xe0: {  	s24 =	sadd.s32 s24, s22  }
0xe1: {  	s25 =	sor.u32 $0x200, s24;
	[tilespmem:s23+$0x100] =	vst v2  }
0xe2: {  	v2 =	vld [tilespmem:s25+$0x100]  }
0xe3: {  	v3 =	vld [tilespmem:s25+$0x1900];
	_ =	sdelay $0x4  }
0xe4: {  	v2 =	vadd.f32 v3, v2;
	_ =	sdelay $0x1  }
0xe5: {  	s23 =	sor.u32 $0x210, s24;
	[tilespmem:s25+$0x100] =	vst v2  }
0xe6: {  	v2 =	vld [tilespmem:s23+$0x100]  }
0xe7: {  	v3 =	vld [tilespmem:s23+$0x1900];
	_ =	sdelay $0x4  }
0xe8: {  	v2 =	vadd.f32 v3, v2;
	_ =	sdelay $0x1  }
0xe9: {  	[tilespmem:s23+$0x100] =	vst v2;
	s23 =	sor.u32 $0x220, s24  }
0xea: {  	v2 =	vld [tilespmem:s23+$0x100]  }
0xeb: {  	v3 =	vld [tilespmem:s23+$0x1900];
	_ =	sdelay $0x4  }
0xec: {  	v2 =	vadd.f32 v3, v2;
	_ =	sdelay $0x1  }
.Ltmp11:
0xed: {  	[tilespmem:s23+$0x100] =	vst v2;
	s23 =	sor.u32 $0x230, s24;
	(pc) =	sbr.rel @p1 .LBB2_22-.Ltmp11, $2  }
0xee: {  	v2 =	vld [tilespmem:s23+$0x100]  }
0xef: {  	v3 =	vld [tilespmem:s23+$0x1900];
	_ =	sdelay $0x2  }
.LBB2_23:
0xf0: {  	_ =	sdelay $0x2  }
0xf1: {  	v2 =	vadd.f32 v3, v2  }
0xf2: {  	s20 =	sadd.s32 s21, s19  }
0xf3: {  	s21 =	sor.u32 $0x280, s20;
	[tilespmem:s23+$0x100] =	vst v2  }
0xf4: {  	v2 =	vld [tilespmem:s21+$0x100]  }
0xf5: {  	v3 =	vld [tilespmem:s21+$0x1900];
	_ =	sdelay $0x4  }
0xf6: {  	v2 =	vadd.f32 v3, v2;
	_ =	sdelay $0x1  }
0xf7: {  	s26 =	sor.u32 $0x290, s20;
	[tilespmem:s21+$0x100] =	vst v2  }
0xf8: {  	v2 =	vld [tilespmem:s26+$0x100]  }
0xf9: {  	v3 =	vld [tilespmem:s26+$0x1900];
	_ =	sdelay $0x4  }
0xfa: {  	v2 =	vadd.f32 v3, v2;
	_ =	sdelay $0x1  }
0xfb: {  	s28 =	sor.u32 $0x2A0, s20;
	[tilespmem:s26+$0x100] =	vst v2  }
0xfc: {  	v2 =	vld [tilespmem:s28+$0x100]  }
0xfd: {  	v3 =	vld [tilespmem:s28+$0x1900];
	_ =	sdelay $0x3  }
0xfe: {  	p1 =	sne.s32 s19, $0x2C0  }
.Ltmp12:
0xff: {  	v2 =	vadd.f32 v3, v2;
	(pc) =	sbr.rel @!p1 .LBB2_25-.Ltmp12, $4  }
0x100: {  	_ = 	snop  }
0x101: {  	s22 =	sor.u32 $0x2B0, s20;
	[tilespmem:s28+$0x100] =	vst v2  }
0x102: {  	v2 =	vld [tilespmem:s22+$0x100]  }
0x103: {  	s20 =	sadd.s32 $0x40, s19;
	s21 =	smov.u32 s19;
	v3 =	vld [tilespmem:s22+$0x1900]  }
.LBB2_24:
0x104: {  	_ = 	snop  }
0x105: {  	p2 =	sne.s32 s20, $0x2C0  }
0x106: {  	s21 =	sadd.s32 $0x200, s21;
	p0 =	por !p0, !p0;
	s23 =	simm.s32 $0x1  }
0x107: {  	s20 =	sadd.s32 $0x40, s20;
	s23 =	simm.s32 @!p0 $0x0  }
0x108: {  	s23 =	sshll.u32 s23, $0x6;
	v2 =	vadd.f32 v3, v2  }
0x109: {  	s23 =	sadd.s32 s23, s21  }
0x10a: {  	s24 =	sor.u32 $0x280, s23;
	[tilespmem:s22+$0x100] =	vst v2  }
0x10b: {  	v2 =	vld [tilespmem:s24+$0x100]  }
0x10c: {  	v3 =	vld [tilespmem:s24+$0x1900];
	_ =	sdelay $0x4  }
0x10d: {  	v2 =	vadd.f32 v3, v2;
	_ =	sdelay $0x1  }
0x10e: {  	s22 =	sor.u32 $0x290, s23;
	[tilespmem:s24+$0x100] =	vst v2  }
0x10f: {  	v2 =	vld [tilespmem:s22+$0x100]  }
0x110: {  	v3 =	vld [tilespmem:s22+$0x1900];
	_ =	sdelay $0x4  }
0x111: {  	v2 =	vadd.f32 v3, v2;
	_ =	sdelay $0x1  }
0x112: {  	[tilespmem:s22+$0x100] =	vst v2;
	s22 =	sor.u32 $0x2A0, s23  }
0x113: {  	v2 =	vld [tilespmem:s22+$0x100]  }
0x114: {  	v3 =	vld [tilespmem:s22+$0x1900];
	_ =	sdelay $0x4  }
.Ltmp13:
0x115: {  	v2 =	vadd.f32 v3, v2;
	(pc) =	sbr.rel @p2 .LBB2_24-.Ltmp13, $4  }
0x116: {  	_ = 	snop  }
0x117: {  	[tilespmem:s22+$0x100] =	vst v2;
	s22 =	sor.u32 $0x2B0, s23  }
0x118: {  	v2 =	vld [tilespmem:s22+$0x100]  }
0x119: {  	v3 =	vld [tilespmem:s22+$0x1900]  }
.LBB2_25:
0x11a: {  	_ =	sdelay $0x1  }
0x11b: {  	p0 =	por $0x0, $0x0;
	s20 =	simm.s32 $0x1  }
0x11c: {  	s20 =	simm.s32 @!p0 $0x0  }
0x11d: {  	s20 =	sshll.u32 s20, $0x6;
	v2 =	vadd.f32 v3, v2  }
0x11e: {  	s20 =	sadd.s32 s20, s19  }
0x11f: {  	s21 =	sor.u32 $0x300, s20;
	[tilespmem:s22+$0x100] =	vst v2  }
0x120: {  	v2 =	vld [tilespmem:s21+$0x100]  }
0x121: {  	v3 =	vld [tilespmem:s21+$0x1900];
	_ =	sdelay $0x4  }
0x122: {  	v2 =	vadd.f32 v3, v2;
	_ =	sdelay $0x1  }
0x123: {  	s26 =	sor.u32 $0x310, s20;
	[tilespmem:s21+$0x100] =	vst v2  }
0x124: {  	v2 =	vld [tilespmem:s26+$0x100]  }
0x125: {  	v3 =	vld [tilespmem:s26+$0x1900];
	_ =	sdelay $0x4  }
0x126: {  	v2 =	vadd.f32 v3, v2;
	_ =	sdelay $0x1  }
0x127: {  	s28 =	sor.u32 $0x320, s20;
	[tilespmem:s26+$0x100] =	vst v2  }
0x128: {  	v2 =	vld [tilespmem:s28+$0x100]  }
0x129: {  	v3 =	vld [tilespmem:s28+$0x1900];
	_ =	sdelay $0x4  }
.Ltmp14:
0x12a: {  	v2 =	vadd.f32 v3, v2;
	(pc) =	sbr.rel @!p1 .LBB2_27-.Ltmp14, $4  }
0x12b: {  	_ = 	snop  }
0x12c: {  	s21 =	sor.u32 $0x330, s20;
	[tilespmem:s28+$0x100] =	vst v2  }
0x12d: {  	v2 =	vld [tilespmem:s21+$0x100]  }
0x12e: {  	s20 =	sadd.s32 $0x40, s19;
	v3 =	vld [tilespmem:s21+$0x1900]  }
.LBB2_26:
0x12f: {  	_ = 	snop  }
0x130: {  	p1 =	sne.s32 s20, $0x2C0  }
0x131: {  	s19 =	sadd.s32 $0x200, s19;
	p0 =	por !p0, !p0;
	s22 =	simm.s32 $0x1  }
0x132: {  	s20 =	sadd.s32 $0x40, s20;
	s22 =	simm.s32 @!p0 $0x0  }
0x133: {  	s22 =	sshll.u32 s22, $0x6;
	v2 =	vadd.f32 v3, v2  }
0x134: {  	s22 =	sadd.s32 s22, s19  }
0x135: {  	s23 =	sor.u32 $0x300, s22;
	[tilespmem:s21+$0x100] =	vst v2  }
0x136: {  	v2 =	vld [tilespmem:s23+$0x100]  }
0x137: {  	v3 =	vld [tilespmem:s23+$0x1900];
	_ =	sdelay $0x4  }
0x138: {  	v2 =	vadd.f32 v3, v2;
	_ =	sdelay $0x1  }
0x139: {  	s21 =	sor.u32 $0x310, s22;
	[tilespmem:s23+$0x100] =	vst v2  }
0x13a: {  	v2 =	vld [tilespmem:s21+$0x100]  }
0x13b: {  	v3 =	vld [tilespmem:s21+$0x1900];
	_ =	sdelay $0x4  }
0x13c: {  	v2 =	vadd.f32 v3, v2;
	_ =	sdelay $0x1  }
0x13d: {  	[tilespmem:s21+$0x100] =	vst v2;
	s21 =	sor.u32 $0x320, s22  }
0x13e: {  	v2 =	vld [tilespmem:s21+$0x100]  }
0x13f: {  	v3 =	vld [tilespmem:s21+$0x1900];
	_ =	sdelay $0x4  }
.Ltmp15:
0x140: {  	v2 =	vadd.f32 v3, v2;
	(pc) =	sbr.rel @p1 .LBB2_26-.Ltmp15, $4  }
0x141: {  	_ = 	snop  }
0x142: {  	[tilespmem:s21+$0x100] =	vst v2;
	s21 =	sor.u32 $0x330, s22  }
0x143: {  	v2 =	vld [tilespmem:s21+$0x100]  }
0x144: {  	v3 =	vld [tilespmem:s21+$0x1900]  }
.LBB2_27:
0x145: {  	_ =	sdelay $0x3  }
0x146: {  	s19 =	simm.s32 $0x0;
	v2 =	vadd.f32 v3, v2  }
0x147: {  	s20 =	sor.u32 s19, s19  }
0x148: {  	s25 =	sor.u32 $0x380, s20;
	[tilespmem:s21+$0x100] =	vst v2  }
0x149: {  	v2 =	vld [tilespmem:s25+$0x100]  }
0x14a: {  	v3 =	vld [tilespmem:s25+$0x1900];
	_ =	sdelay $0x4  }
0x14b: {  	v2 =	vadd.f32 v3, v2;
	_ =	sdelay $0x1  }
0x14c: {  	s26 =	sor.u32 $0x390, s20;
	[tilespmem:s25+$0x100] =	vst v2  }
0x14d: {  	v2 =	vld [tilespmem:s26+$0x100]  }
0x14e: {  	v3 =	vld [tilespmem:s26+$0x1900];
	_ =	sdelay $0x4  }
0x14f: {  	v2 =	vadd.f32 v3, v2;
	_ =	sdelay $0x1  }
0x150: {  	s28 =	sor.u32 $0x3A0, s20;
	[tilespmem:s26+$0x100] =	vst v2  }
0x151: {  	v2 =	vld [tilespmem:s28+$0x100]  }
0x152: {  	v3 =	vld [tilespmem:s28+$0x1900];
	_ =	sdelay $0x4  }
0x153: {  	v2 =	vadd.f32 v3, v2;
	_ =	sdelay $0x1  }
0x154: {  	s21 =	sor.u32 $0x3B0, s20;
	[tilespmem:s28+$0x100] =	vst v2  }
0x155: {  	v2 =	vld [tilespmem:s21+$0x100]  }
0x156: {  	s20 =	simm.s32 $0x40;
	v3 =	vld [tilespmem:s21+$0x1900]  }
.LBB2_28:
0x157: {  	_ = 	snop  }
0x158: {  	p0 =	sne.s32 s20, $0x2C0  }
0x159: {  	s19 =	sadd.s32 $0x200, s19;
	s22 =	smov.u32 s20;
	s20 =	sadd.s32 $0x40, s20  }
0x15a: {  	_ = 	snop  }
0x15b: {  	v2 =	vadd.f32 v3, v2  }
0x15c: {  	s22 =	sor.u32 s22, s19  }
0x15d: {  	s23 =	sor.u32 $0x380, s22;
	[tilespmem:s21+$0x100] =	vst v2  }
0x15e: {  	v2 =	vld [tilespmem:s23+$0x100]  }
0x15f: {  	v3 =	vld [tilespmem:s23+$0x1900];
	_ =	sdelay $0x4  }
0x160: {  	v2 =	vadd.f32 v3, v2;
	_ =	sdelay $0x1  }
0x161: {  	s21 =	sor.u32 $0x390, s22;
	[tilespmem:s23+$0x100] =	vst v2  }
0x162: {  	v2 =	vld [tilespmem:s21+$0x100]  }
0x163: {  	v3 =	vld [tilespmem:s21+$0x1900];
	_ =	sdelay $0x4  }
0x164: {  	v2 =	vadd.f32 v3, v2;
	_ =	sdelay $0x1  }
0x165: {  	[tilespmem:s21+$0x100] =	vst v2;
	s21 =	sor.u32 $0x3A0, s22  }
0x166: {  	v2 =	vld [tilespmem:s21+$0x100]  }
0x167: {  	v3 =	vld [tilespmem:s21+$0x1900];
	_ =	sdelay $0x4  }
.Ltmp16:
0x168: {  	v2 =	vadd.f32 v3, v2;
	(pc) =	sbr.rel @p0 .LBB2_28-.Ltmp16, $4  }
0x169: {  	_ = 	snop  }
0x16a: {  	[tilespmem:s21+$0x100] =	vst v2;
	s21 =	sor.u32 $0x3B0, s22  }
0x16b: {  	v2 =	vld [tilespmem:s21+$0x100]  }
0x16c: {  	v3 =	vld [tilespmem:s21+$0x1900]  }
0x16d: {  	_ =	sdelay $0x3  }
0x16e: {  	v2 =	vadd.f32 v3, v2;
	_ =	sdelay $0x1  }
0x16f: {  	[tilespmem:s21+$0x100] =	vst v2  }
0x170: {  	[hbm4b:s9+s4] =	stream.linear.scatter [tilespmem:s16], [sflag:$0x2], $0x1800, $0x38;
	[tilespmem:$0x3100] =	vst v63  }
0x171: {  	s19 =	rddreg [dreg:$0xc]  }
0x172: {  	[hbm4b:s19+s4] =	stream.linear.scatter [tilespmem:s16], [sflag:$0x2], $0x1800, $0x38;
	[tilespmem:$0x3100] =	vst v63  }
0x173: {  	s21 =	rddreg [dreg:$0xd]  }
0x174: {  	[hbm4b:s21+s4] =	stream.linear.scatter [tilespmem:s16], [sflag:$0x2], $0x1800, $0x38;
	[tilespmem:$0x3100] =	vst v63  }
0x175: {  	s22 =	rddreg [dreg:$0xe]  }
0x176: {  	[hbm4b:s22+s4] =	stream.linear.scatter [tilespmem:s16], [sflag:$0x2], $0x1800, $0x38;
	[tilespmem:$0x3100] =	vst v63  }
0x177: {  	s23 =	rddreg [dreg:$0xf]  }
0x178: {  	[hbm4b:s23+s4] =	stream.linear.scatter [tilespmem:s16], [sflag:$0x2], $0x1800, $0x38;
	[tilespmem:$0x3100] =	vst v63  }
0x179: {  	s24 =	rddreg [dreg:$0x10]  }
0x17a: {  	[hbm4b:s24+s4] =	stream.linear.scatter [tilespmem:s16], [sflag:$0x2], $0x1800, $0x38;
	[tilespmem:$0x3100] =	vst v63  }
0x17b: {  	s25 =	rddreg [dreg:$0x11]  }
0x17c: {  	[hbm4b:s25+s4] =	stream.linear.scatter [tilespmem:s16], [sflag:$0x2], $0x1800, $0x38;
	[tilespmem:$0x3100] =	vst v63  }
0x17d: {  	s26 =	rddreg [dreg:$0x12]  }
0x17e: {  	[hbm4b:s26+s4] =	stream.linear.scatter [tilespmem:s16], [sflag:$0x2], $0x1800, $0x38;
	[tilespmem:$0x3100] =	vst v63  }
0x17f: {  	s28 =	rddreg [dreg:$0x18]  }
0x180: {  	[hbm4b:s28+s4] =	stream.linear.scatter [tilespmem:s16], [sflag:$0x2], $0x1800, $0x38;
	[tilespmem:$0x3100] =	vst v63  }
0x181: {  	s20 =	rddreg [dreg:$0x1a]  }
0x182: {  	[hbm4b:s20+s4] =	stream.linear.scatter [tilespmem:s16], [sflag:$0x2], $0x1800, $0x38;
	[tilespmem:$0x3100] =	vst v63  }
0x183: {  	s21 =	rddreg [dreg:$0x1b]  }
0x184: {  	[hbm4b:s21+s4] =	stream.linear.scatter [tilespmem:s16], [sflag:$0x2], $0x1800, $0x38;
	[tilespmem:$0x3100] =	vst v63  }
0x185: {  	_ = 	snop  }
0x186: {  	[hbm4b:s29+s4] =	stream.linear.scatter [tilespmem:s16], [sflag:$0x2], $0x1800, $0x38;
	[tilespmem:$0x3100] =	vst v63  }
0x187: {  	s22 =	rddreg [dreg:$0x13]  }
0x188: {  	[hbm4b:s22+s4] =	stream.linear.scatter [tilespmem:s16], [sflag:$0x2], $0x1800, $0x38;
	[tilespmem:$0x3100] =	vst v63  }
0x189: {  	_ = 	snop  }
0x18a: {  	[hbm4b:s30+s4] =	stream.linear.scatter [tilespmem:s16], [sflag:$0x2], $0x1800, $0x38;
	[tilespmem:$0x3100] =	vst v63  }
0x18b: {  	_ = 	snop  }
0x18c: {  	[hbm4b:s31+s4] =	stream.linear.scatter [tilespmem:s16], [sflag:$0x2], $0x1800, $0x38;
	[tilespmem:$0x3100] =	vst v63  }
0x18d: {  	_ = 	snop  }
0x18e: {  	[hbm4b:s0+s4] =	stream.linear.scatter [tilespmem:s16], [sflag:$0x2], $0x1800, $0x38;
	[tilespmem:$0x3100] =	vst v63  }
0x18f: {  	s23 =	rddreg [dreg:$0x14]  }
0x190: {  	[hbm4b:s23+s4] =	stream.linear.scatter [tilespmem:s16], [sflag:$0x2], $0x1800, $0x38;
	[tilespmem:$0x3100] =	vst v63  }
0x191: {  	_ = 	snop  }
0x192: {  	[hbm4b:s1+s4] =	stream.linear.scatter [tilespmem:s16], [sflag:$0x2], $0x1800, $0x38;
	[tilespmem:$0x3100] =	vst v63  }
0x193: {  	_ = 	snop  }
0x194: {  	[hbm4b:s2+s4] =	stream.linear.scatter [tilespmem:s16], [sflag:$0x2], $0x1800, $0x38;
	[tilespmem:$0x3100] =	vst v63  }
0x195: {  	_ = 	snop  }
0x196: {  	[hbm4b:s3+s4] =	stream.linear.scatter [tilespmem:s16], [sflag:$0x2], $0x1800, $0x38;
	[tilespmem:$0x3100] =	vst v63  }
0x197: {  	s24 =	rddreg [dreg:$0x15]  }
0x198: {  	[hbm4b:s24+s4] =	stream.linear.scatter [tilespmem:s16], [sflag:$0x2], $0x1800, $0x38;
	[tilespmem:$0x3100] =	vst v63  }
0x199: {  	_ = 	snop  }
0x19a: {  	[hbm4b:s5+s4] =	stream.linear.scatter [tilespmem:s16], [sflag:$0x2], $0x1800, $0x38;
	[tilespmem:$0x3100] =	vst v63  }
0x19b: {  	_ = 	snop  }
0x19c: {  	[hbm4b:s6+s4] =	stream.linear.scatter [tilespmem:s16], [sflag:$0x2], $0x1800, $0x38;
	[tilespmem:$0x3100] =	vst v63  }
0x19d: {  	_ = 	snop  }
0x19e: {  	[hbm4b:s7+s4] =	stream.linear.scatter [tilespmem:s16], [sflag:$0x2], $0x1800, $0x38;
	[tilespmem:$0x3100] =	vst v63  }
0x19f: {  	s25 =	rddreg [dreg:$0x16]  }
0x1a0: {  	[hbm4b:s25+s4] =	stream.linear.scatter [tilespmem:s16], [sflag:$0x2], $0x1800, $0x38;
	[tilespmem:$0x3100] =	vst v63  }
0x1a1: {  	_ = 	snop  }
0x1a2: {  	[hbm4b:s8+s4] =	stream.linear.scatter [tilespmem:s16], [sflag:$0x2], $0x1800, $0x38;
	[tilespmem:$0x3100] =	vst v63  }
0x1a3: {  	_ = 	snop  }
0x1a4: {  	[hbm4b:s10+s4] =	stream.linear.scatter [tilespmem:s16], [sflag:$0x2], $0x1800, $0x38;
	[tilespmem:$0x3100] =	vst v63  }
0x1a5: {  	_ = 	snop  }
0x1a6: {  	[hbm4b:s11+s4] =	stream.linear.scatter [tilespmem:s16], [sflag:$0x2], $0x1800, $0x38;
	[tilespmem:$0x3100] =	vst v63  }
0x1a7: {  	s26 =	rddreg [dreg:$0x17]  }
0x1a8: {  	[hbm4b:s26+s4] =	stream.linear.scatter [tilespmem:s16], [sflag:$0x2], $0x1800, $0x38;
	[tilespmem:$0x3100] =	vst v63  }
0x1a9: {  	_ = 	snop  }
0x1aa: {  	[hbm4b:s12+s4] =	stream.linear.scatter [tilespmem:s16], [sflag:$0x2], $0x1800, $0x38;
	[tilespmem:$0x3100] =	vst v63  }
0x1ab: {  	_ = 	snop  }
0x1ac: {  	[hbm4b:s13+s4] =	stream.linear.scatter [tilespmem:s16], [sflag:$0x2], $0x1800, $0x38;
	[tilespmem:$0x3100] =	vst v63  }
0x1ad: {  	_ = 	snop  }
0x1ae: {  	[hbm4b:s14+s4] =	stream.linear.scatter [tilespmem:s16], [sflag:$0x2], $0x1800, $0x38;
	[tilespmem:$0x3100] =	vst v63  }
0x1af: {  	_ =	swait.ge [sflag:s17], $0x1800  }
0x1b0: {  	[sflag:s17] =	ssyncset.done $0x0  }
0x1b1: {  	[sflag:s17] =	ssyncadd.s32 $0xFFFFE800  }
0x1b2: {  	_ =	swait.ge [sflag:s17], $0x1800  }
0x1b3: {  	[sflag:s17] =	ssyncset.done $0x0  }
0x1b4: {  	[sflag:s17] =	ssyncadd.s32 $0xFFFFE800  }
0x1b5: {  	_ =	swait.ge [sflag:s17], $0x1800  }
0x1b6: {  	[sflag:s17] =	ssyncset.done $0x0  }
0x1b7: {  	[sflag:s17] =	ssyncadd.s32 $0xFFFFE800  }
0x1b8: {  	_ =	swait.ge [sflag:s17], $0x1800  }
0x1b9: {  	[sflag:s17] =	ssyncset.done $0x0  }
0x1ba: {  	[sflag:s17] =	ssyncadd.s32 $0xFFFFE800  }
0x1bb: {  	_ =	swait.ge [sflag:s17], $0x1800  }
0x1bc: {  	[sflag:s17] =	ssyncset.done $0x0  }
0x1bd: {  	[sflag:s17] =	ssyncadd.s32 $0xFFFFE800  }
0x1be: {  	_ =	swait.ge [sflag:s17], $0x1800  }
0x1bf: {  	[sflag:s17] =	ssyncset.done $0x0  }
0x1c0: {  	[sflag:s17] =	ssyncadd.s32 $0xFFFFE800  }
0x1c1: {  	_ =	swait.ge [sflag:s17], $0x1800  }
0x1c2: {  	[sflag:s17] =	ssyncset.done $0x0  }
0x1c3: {  	[sflag:s17] =	ssyncadd.s32 $0xFFFFE800  }
0x1c4: {  	_ =	swait.ge [sflag:s17], $0x1800  }
0x1c5: {  	[sflag:s17] =	ssyncset.done $0x0  }
0x1c6: {  	[sflag:s17] =	ssyncadd.s32 $0xFFFFE800  }
0x1c7: {  	_ =	swait.ge [sflag:s17], $0x1800  }
0x1c8: {  	[sflag:s17] =	ssyncset.done $0x0  }
0x1c9: {  	[sflag:s17] =	ssyncadd.s32 $0xFFFFE800  }
0x1ca: {  	_ =	swait.ge [sflag:s17], $0x1800  }
0x1cb: {  	[sflag:s17] =	ssyncset.done $0x0  }
0x1cc: {  	[sflag:s17] =	ssyncadd.s32 $0xFFFFE800  }
0x1cd: {  	_ =	swait.ge [sflag:s17], $0x1800  }
0x1ce: {  	[sflag:s17] =	ssyncset.done $0x0  }
0x1cf: {  	[sflag:s17] =	ssyncadd.s32 $0xFFFFE800  }
0x1d0: {  	_ =	swait.ge [sflag:s17], $0x1800  }
0x1d1: {  	[sflag:s17] =	ssyncset.done $0x0  }
0x1d2: {  	[sflag:s17] =	ssyncadd.s32 $0xFFFFE800  }
0x1d3: {  	_ =	swait.ge [sflag:s17], $0x1800  }
0x1d4: {  	[sflag:s17] =	ssyncset.done $0x0  }
0x1d5: {  	[sflag:s17] =	ssyncadd.s32 $0xFFFFE800  }
0x1d6: {  	_ =	swait.ge [sflag:s17], $0x1800  }
0x1d7: {  	[sflag:s17] =	ssyncset.done $0x0  }
0x1d8: {  	[sflag:s17] =	ssyncadd.s32 $0xFFFFE800  }
0x1d9: {  	_ =	swait.ge [sflag:s17], $0x1800  }
0x1da: {  	[sflag:s17] =	ssyncset.done $0x0  }
0x1db: {  	[sflag:s17] =	ssyncadd.s32 $0xFFFFE800  }
0x1dc: {  	_ =	swait.ge [sflag:s17], $0x1800  }
0x1dd: {  	[sflag:s17] =	ssyncset.done $0x0  }
0x1de: {  	[sflag:s17] =	ssyncadd.s32 $0xFFFFE800  }
0x1df: {  	_ =	swait.ge [sflag:s17], $0x1800  }
0x1e0: {  	[sflag:s17] =	ssyncset.done $0x0  }
0x1e1: {  	[sflag:s17] =	ssyncadd.s32 $0xFFFFE800  }
0x1e2: {  	_ =	swait.ge [sflag:s17], $0x1800  }
0x1e3: {  	[sflag:s17] =	ssyncset.done $0x0  }
0x1e4: {  	[sflag:s17] =	ssyncadd.s32 $0xFFFFE800  }
0x1e5: {  	_ =	swait.ge [sflag:s17], $0x1800  }
0x1e6: {  	[sflag:s17] =	ssyncset.done $0x0  }
0x1e7: {  	[sflag:s17] =	ssyncadd.s32 $0xFFFFE800  }
0x1e8: {  	_ =	swait.ge [sflag:s17], $0x1800  }
0x1e9: {  	[sflag:s17] =	ssyncset.done $0x0  }
0x1ea: {  	[sflag:s17] =	ssyncadd.s32 $0xFFFFE800  }
0x1eb: {  	_ =	swait.ge [sflag:s17], $0x1800  }
0x1ec: {  	[sflag:s17] =	ssyncset.done $0x0  }
0x1ed: {  	[sflag:s17] =	ssyncadd.s32 $0xFFFFE800  }
0x1ee: {  	_ =	swait.ge [sflag:s17], $0x1800  }
0x1ef: {  	[sflag:s17] =	ssyncset.done $0x0  }
0x1f0: {  	[sflag:s17] =	ssyncadd.s32 $0xFFFFE800  }
0x1f1: {  	_ =	swait.ge [sflag:s17], $0x1800  }
0x1f2: {  	[sflag:s17] =	ssyncset.done $0x0  }
0x1f3: {  	[sflag:s17] =	ssyncadd.s32 $0xFFFFE800  }
0x1f4: {  	_ =	swait.ge [sflag:s17], $0x1800  }
0x1f5: {  	[sflag:s17] =	ssyncset.done $0x0  }
0x1f6: {  	[sflag:s17] =	ssyncadd.s32 $0xFFFFE800  }
0x1f7: {  	_ =	swait.ge [sflag:s17], $0x1800  }
0x1f8: {  	[sflag:s17] =	ssyncset.done $0x0  }
0x1f9: {  	[sflag:s17] =	ssyncadd.s32 $0xFFFFE800  }
0x1fa: {  	_ =	swait.ge [sflag:s17], $0x1800  }
0x1fb: {  	[sflag:s17] =	ssyncset.done $0x0  }
0x1fc: {  	[sflag:s17] =	ssyncadd.s32 $0xFFFFE800  }
0x1fd: {  	_ =	swait.ge [sflag:s17], $0x1800  }
0x1fe: {  	[sflag:s17] =	ssyncset.done $0x0  }
0x1ff: {  	[sflag:s17] =	ssyncadd.s32 $0xFFFFE800  }
0x200: {  	_ =	swait.ge [sflag:s17], $0x1800  }
0x201: {  	[sflag:s17] =	ssyncset.done $0x0  }
0x202: {  	[sflag:s17] =	ssyncadd.s32 $0xFFFFE800  }
0x203: {  	_ =	swait.ge [sflag:s17], $0x1800  }
0x204: {  	[sflag:s17] =	ssyncset.done $0x0  }
0x205: {  	[sflag:s17] =	ssyncadd.s32 $0xFFFFE800  }
0x206: {  	_ =	swait.ge [sflag:s17], $0x1800  }
0x207: {  	[sflag:s17] =	ssyncset.done $0x0  }
0x208: {  	[sflag:s17] =	ssyncadd.s32 $0xFFFFE800  }
0x209: {  	_ =	swait.ge [sflag:s17], $0x1800  }
0x20a: {  	[sflag:s17] =	ssyncset.done $0x0  }
0x20b: {  	[sflag:s17] =	ssyncadd.s32 $0xFFFFE800  }
0x20c: {  	_ =	swait.ge [sflag:s17], $0x1800  }
0x20d: {  	s18 =	sadd.s32 $0x1, s18;
	s28 =	rddreg [dreg:$0x19]  }
0x20e: {  	p0 =	sne.s32 s18, s28  }
.Ltmp17:
0x20f: {  	_ = 	snop;
	(pc) =	sbr.rel @p0 .LBB2_1-.Ltmp17, $4  }
.Ltmp18:
0x210: {  	_ = 	snop;
	(pc) =	sbr.rel @!p0 .LBB2_30-.Ltmp18, $4  }
0x211: {  	_ = 	snop  }
0x212: {  	[sflag:s17] =	ssyncset.done $0x0  }
0x213: {  	[sflag:s17] =	ssyncadd.s32 $0xFFFFE800  }
0x214: {  	_ = 	snop  }
.LBB2_4:
.Ltmp19:
0x215: {  	(pc) =	sbr.rel .LBB2_9-.Ltmp19, $2  }
0x216: {  	_ =	sdelay $0x2  }
0x217: {  	s22 =	smov.u32 s23;
	p2 =	por $0x0, $0x0  }
.LBB2_10:
.Ltmp20:
0x218: {  	(pc) =	sbr.rel .LBB2_15-.Ltmp20, $2  }
0x219: {  	_ =	sdelay $0x2  }
0x21a: {  	s20 =	smov.u32 s23  }
.LBB2_16:
.Ltmp21:
0x21b: {  	(pc) =	sbr.rel .LBB2_21-.Ltmp21, $2  }
0x21c: {  	_ =	sdelay $0x2  }
0x21d: {  	s22 =	smov.u32 s21  }
.LBB2_6:
.Ltmp22:
0x21e: {  	(pc) =	sbr.rel .LBB2_9-.Ltmp22, $2  }
0x21f: {  	_ =	sdelay $0x2  }
0x220: {  	s19 =	smov.u32 s23;
	v10 =	vmovc v6;
	v9 =	vmov v7;
	v8 =	vmov v4;
	v4 =	vmov v5  }
.LBB2_12:
.Ltmp23:
0x221: {  	(pc) =	sbr.rel .LBB2_15-.Ltmp23, $2  }
0x222: {  	_ =	sdelay $0x2  }
0x223: {  	v11 =	vmovc v6;
	v9 =	vmov v7;
	v8 =	vmov v4;
	v4 =	vmov v5  }
.LBB2_18:
.Ltmp24:
0x224: {  	(pc) =	sbr.rel .LBB2_21-.Ltmp24, $2  }
0x225: {  	_ =	sdelay $0x2  }
0x226: {  	v10 =	vmovc v7;
	v9 =	vmov v8;
	v5 =	vmov v4;
	v4 =	vmov v6  }
.LBB2_30:
0x227: {  	_ =	sfence.sel $0x180000  }
0x228: {  	[bflag:$0x0] =	sbarrier.arrive $0xFFFF  }
0x229: {  	_ =	strace $0x90000047  }
0x22a: {  	s0 =	stileid.u32;
	[bflag:$0x2] =	sbarrier.arrive $0xFFFF  }
0x22b: {  	p0 =	sne.s32 s0, $0x0;
	s0 =	rddreg [dreg:$0x5]  }
0x22c: {  	s0 =	sadd.s32 @!p0 $0x100000, s0  }
0x22d: {  	[sflag:s0] =	ssyncadd.tile.s32 @!p0 $0x1;
	_ =	shalt  }
.Lfunc_end2:
_tile_overlayer_lowered:
.L_overlay_start_2:
0x22e: {  	(tag) =	ssettag $0x2  }
0x22f: {  	s0 =	rddreg [dreg:$0x0];
	s2 =	stileid.u32  }
0x230: {  	s1 =	rddreg [dreg:$0x1];
	p0 =	sne.s32 s2, $0x0  }
0x231: {  	s3 =	rddreg [dreg:$0x2];
	[bflag:$0x3] =	sbarrier.arrive $0xFFFF;
	s2 =	simm.s32 @!p0 $0x1C03  }
0x232: {  	[timem:s3], [sflag:s2] =	dma.local @!p0 [hbm:s0], s1  }
0x233: {  	s0 =	simm.s32 @!p0 $0x3  }
0x234: {  	_ =	swait.ge @!p0 [sflag:s0], s1  }
0x235: {  	s1 =	ssub.s32 @!p0 $0x0, s1;
	[sflag:s0] =	ssyncset.done @!p0 $0x0  }
0x236: {  	[sflag:s0] =	ssyncadd.s32 @!p0 s1  }
0x237: {  	[bflag:$0x3] =	sbarrier.arrive $0xFFFF  }
0x238: {  	_ =	shalt  }

</sc_bundles>
